<compile_context>
chip_gen: v7x
topology: tpu7x:2x2x1
jax: 0.10.2.dev20260603
libtpu: 0.0.44.dev20260713+nightly
codegen_flags: <defaults>
</compile_context>

<pallas_src>
import functools

import jax
import jax.numpy as jnp
from jax import lax
from jax.experimental import pallas as pl
from jax.experimental.pallas import tpu as pltpu
from jax.experimental.pallas import tpu_sc as plsc

_NC = 2
_NS = 16
_NW = _NC * _NS
_CHUNK = 128


def _sc_degree(dst2d, zeros_stripe, ones_chunk, n_pad, cpt):
    stripe = n_pad // _NS
    mesh = plsc.VectorSubcoreMesh(core_axis_name="c", subcore_axis_name="s")

    @functools.partial(
        pl.kernel,
        out_type=jax.ShapeDtypeStruct((_NC, n_pad), jnp.float32),
        mesh=mesh,
        scratch_types=[
            pltpu.VMEM((cpt, _CHUNK), jnp.int32),
            pltpu.VMEM((_CHUNK,), jnp.float32),
            pltpu.VMEM_SHARED((n_pad,), jnp.float32),
        ],
    )
    def deg_kernel(dst_hbm, z_hbm, ones_hbm, out_hbm, dst_v, ones_v, acc):
        cid = lax.axis_index("c")
        sid = lax.axis_index("s")
        wid = sid * _NC + cid
        pltpu.sync_copy(z_hbm, acc.at[pl.ds(sid * stripe, stripe)])
        pltpu.sync_copy(ones_hbm, ones_v)
        pltpu.sync_copy(dst_hbm.at[pl.ds(wid * cpt, cpt)], dst_v)
        plsc.subcore_barrier()

        def body(j, carry):
            pltpu.sync_copy(ones_v, acc.at[dst_v.at[j]], add=True)
            return carry

        lax.fori_loop(0, cpt, body, 0)
        plsc.subcore_barrier()
        pltpu.sync_copy(acc.at[pl.ds(sid * stripe, stripe)],
                        out_hbm.at[cid, pl.ds(sid * stripe, stripe)])

    return deg_kernel(dst2d, zeros_stripe, ones_chunk)


def _sc_scatter(tab, src2d, dst2d, zeros_rows, n_pad, cpt, width):
    stripe = n_pad // _NS
    mesh = plsc.VectorSubcoreMesh(core_axis_name="c", subcore_axis_name="s")

    @functools.partial(
        pl.kernel,
        out_type=jax.ShapeDtypeStruct((_NC, n_pad, width), jnp.float32),
        mesh=mesh,
        scratch_types=[
            pltpu.VMEM((cpt, _CHUNK), jnp.int32),
            pltpu.VMEM((cpt, _CHUNK), jnp.int32),
            pltpu.VMEM((_CHUNK, width), jnp.float32),
            pltpu.VMEM_SHARED((n_pad, width), jnp.float32),
            pltpu.SemaphoreType.DMA,
        ],
    )
    def scat_kernel(tab_hbm, src_hbm, dst_hbm, z_hbm, out_hbm,
                    src_v, dst_v, rows_v, acc, sem):
        cid = lax.axis_index("c")
        sid = lax.axis_index("s")
        wid = sid * _NC + cid
        pltpu.sync_copy(z_hbm, acc.at[pl.ds(sid * stripe, stripe)])
        pltpu.sync_copy(src_hbm.at[pl.ds(wid * cpt, cpt)], src_v)
        pltpu.sync_copy(dst_hbm.at[pl.ds(wid * cpt, cpt)], dst_v)
        plsc.subcore_barrier()

        def body(j, carry):
            pltpu.async_copy(tab_hbm.at[src_v.at[j]], rows_v, sem).wait()
            pltpu.sync_copy(rows_v, acc.at[dst_v.at[j]], add=True)
            return carry

        lax.fori_loop(0, cpt, body, 0)
        plsc.subcore_barrier()
        pltpu.sync_copy(acc.at[pl.ds(sid * stripe, stripe)],
                        out_hbm.at[cid, pl.ds(sid * stripe, stripe)])

    return scat_kernel(tab, src2d, dst2d, zeros_rows)


def _tc_prep(degp, x_pad, n_pad, width):
    blk = 1024

    def body(degp_ref, x_ref, d_ref, zs_ref):
        deg = degp_ref[0] + degp_ref[1] + 1.0
        d = lax.rsqrt(deg)
        d_ref[...] = d
        zs_ref[...] = x_ref[...] * d

    return pl.pallas_call(
        body,
        grid=(n_pad // blk,),
        in_specs=[
            pl.BlockSpec((2, blk, 1), lambda i: (0, i, 0)),
            pl.BlockSpec((blk, width), lambda i: (i, 0)),
        ],
        out_specs=[
            pl.BlockSpec((blk, 1), lambda i: (i, 0)),
            pl.BlockSpec((blk, width), lambda i: (i, 0)),
        ],
        out_shape=[
            jax.ShapeDtypeStruct((n_pad, 1), jnp.float32),
            jax.ShapeDtypeStruct((n_pad, width), jnp.float32),
        ],
    )(degp, x_pad)


def _tc_layer(P, zs, dcol, W1, b1r, W2, a11, n_pad):
    blk = 1024
    d_in, h1 = W1.shape
    h2 = W2.shape[1]

    def body(p_ref, zs_ref, d_ref, w1_ref, b1_ref, w2_ref, a_ref, out_ref):
        d = d_ref[...]
        agg = (p_ref[0] + p_ref[1] + zs_ref[...]) * d
        f1 = jnp.dot(agg, w1_ref[...], preferred_element_type=jnp.float32)
        f1 = f1 + b1_ref[...]
        aa = a_ref[0, 0]
        f1 = jnp.where(f1 >= 0, f1, aa * f1)
        hh = jnp.dot(f1, w2_ref[...], preferred_element_type=jnp.float32)
        out_ref[...] = hh * d

    return pl.pallas_call(
        body,
        grid=(n_pad // blk,),
        in_specs=[
            pl.BlockSpec((2, blk, d_in), lambda i: (0, i, 0)),
            pl.BlockSpec((blk, d_in), lambda i: (i, 0)),
            pl.BlockSpec((blk, 1), lambda i: (i, 0)),
            pl.BlockSpec((d_in, h1), lambda i: (0, 0)),
            pl.BlockSpec((1, h1), lambda i: (0, 0)),
            pl.BlockSpec((h1, h2), lambda i: (0, 0)),
            pl.BlockSpec(memory_space=pltpu.SMEM),
        ],
        out_specs=pl.BlockSpec((blk, h2), lambda i: (i, 0)),
        out_shape=jax.ShapeDtypeStruct((n_pad, h2), jnp.float32),
    )(P, zs, dcol, W1, b1r, W2, a11)


def _tc_final(Q, ys, dcol, b2r, a11, n_pad, width):
    blk = 1024

    def body(q_ref, ys_ref, d_ref, b2_ref, a_ref, out_ref):
        agg = (q_ref[0] + q_ref[1] + ys_ref[...]) * d_ref[...] + b2_ref[...]
        aa = a_ref[0, 0]
        out_ref[...] = jnp.where(agg >= 0, agg, aa * agg)

    return pl.pallas_call(
        body,
        grid=(n_pad // blk,),
        in_specs=[
            pl.BlockSpec((2, blk, width), lambda i: (0, i, 0)),
            pl.BlockSpec((blk, width), lambda i: (i, 0)),
            pl.BlockSpec((blk, 1), lambda i: (i, 0)),
            pl.BlockSpec((1, width), lambda i: (0, 0)),
            pl.BlockSpec(memory_space=pltpu.SMEM),
        ],
        out_specs=pl.BlockSpec((blk, width), lambda i: (i, 0)),
        out_shape=jax.ShapeDtypeStruct((n_pad, width), jnp.float32),
    )(Q, ys, dcol, b2r, a11)


def kernel(x, edge_index, W1, b1, W2, b2, a):
    n, d_in = x.shape
    e = edge_index.shape[1]
    n_pad = ((n + 1 + 2047) // 2048) * 2048
    cpt = -(-e // (_NW * _CHUNK))
    cpt = ((cpt + 7) // 8) * 8
    e_pad = _NW * cpt * _CHUNK

    src = edge_index[0].astype(jnp.int32)
    dst = edge_index[1].astype(jnp.int32)
    pad_idx = jnp.full((e_pad - e,), n, jnp.int32)
    src2d = jnp.concatenate([src, pad_idx]).reshape(_NW * cpt, _CHUNK)
    dst2d = jnp.concatenate([dst, pad_idx]).reshape(_NW * cpt, _CHUNK)

    x_pad = jnp.zeros((n_pad, d_in), jnp.float32).at[:n].set(x)
    zeros_stripe = jnp.zeros((n_pad // _NS,), jnp.float32)
    zeros_rows = jnp.zeros((n_pad // _NS, d_in), jnp.float32)
    ones_chunk = jnp.ones((_CHUNK,), jnp.float32)

    degp = _sc_degree(dst2d, zeros_stripe, ones_chunk, n_pad, cpt)
    dcol, zs = _tc_prep(degp.reshape(_NC, n_pad, 1), x_pad, n_pad, d_in)
    P = _sc_scatter(zs, src2d, dst2d, zeros_rows, n_pad, cpt, d_in)
    ys = _tc_layer(P, zs, dcol, W1, b1.reshape(1, -1), W2,
                   a.reshape(1, 1), n_pad)
    Q = _sc_scatter(ys, src2d, dst2d, zeros_rows, n_pad, cpt, W2.shape[1])
    out = _tc_final(Q, ys, dcol, b2.reshape(1, -1), a.reshape(1, 1),
                    n_pad, W2.shape[1])
    return out[:n]

# --- scband reference (transcript-rebuilt; emitter-appended) ---
"""Pipeline reference for scband-gcn-17532056502864 (READ-ONLY COPY).

The authoritative reference and input builder live on the scoring server;
editing this copy changes nothing except your own understanding.
"""

import jax, jax.numpy as jnp
import numpy as np

N_NODES = 10000


def gcn_conv(x, edge_index, W, b, num_nodes):
    # PyG GCNConv: add self-loops, symmetric normalization D^-1/2 A D^-1/2, then x@W scatter-add + bias
    src = edge_index[0]
    dst = edge_index[1]
    loop = jnp.arange(num_nodes, dtype=edge_index.dtype)
    src = jnp.concatenate([src, loop])
    dst = jnp.concatenate([dst, loop])
    deg = jnp.zeros((num_nodes,), dtype=x.dtype).at[dst].add(1.0)
    deg_inv_sqrt = jnp.where(deg > 0, deg ** -0.5, 0.0)
    norm = deg_inv_sqrt[src] * deg_inv_sqrt[dst]
    h = x @ W
    msg = h[src] * norm[:, None]
    out = jnp.zeros((num_nodes, W.shape[1]), dtype=x.dtype).at[dst].add(msg)
    return out + b


def prelu(x, a):
    return jnp.where(x >= 0, x, a * x)


def setup_inputs(seed: int = 0) -> dict:
    key = jax.random.key(seed)
    k1, k2, k3, k4, k5 = jax.random.split(key, 5)
    d_in, h1, h2 = 128, 512, 128
    x = jax.random.normal(k1, (N_NODES, d_in), dtype=jnp.float32)
    edge_index = jax.random.randint(k2, (2, 320000), 0, N_NODES, dtype=jnp.int64)
    W1 = jax.random.normal(k3, (d_in, h1), dtype=jnp.float32) * (1.0 / np.sqrt(d_in))
    b1 = jnp.zeros((h1,), dtype=jnp.float32)
    W2 = jax.random.normal(k4, (h1, h2), dtype=jnp.float32) * (1.0 / np.sqrt(h1))
    b2 = jnp.zeros((h2,), dtype=jnp.float32)
    a = jnp.asarray(0.25, dtype=jnp.float32)  # shared PReLU weight (num_parameters=1)
    return {"x": x, "edge_index": edge_index, "W1": W1, "b1": b1, "W2": W2, "b2": b2, "a": a}


def reference(x, edge_index, W1, b1, W2, b2, a):
    n = x.shape[0]
    # dropout treated as identity (eval-mode) for deterministic reference
    feat1 = prelu(gcn_conv(x, edge_index, W1, b1, n), a)
    feat2 = prelu(gcn_conv(feat1, edge_index, W2, b2, n), a)
    return feat2

if __name__ == "__main__":
    import jax
    _d = setup_inputs()
    print(jax.jit(kernel)(*tuple(_d.values())))

</pallas_src>

<mosaic_0001>
#map = affine_map<(d0, d1) -> (0, 0)>
#map1 = affine_map<(d0, d1) -> (0)>
module attributes {stable_mosaic.version = 14 : i64} {
  func.func @deg_kernel(%arg0: i32, %arg1: i32, %arg2: memref<2560x128xi32, #tpu.memory_space<hbm>>, %arg3: memref<640xf32, #tpu.memory_space<hbm>>, %arg4: memref<128xf32, #tpu.memory_space<hbm>>, %arg5: memref<2x10240xf32, #tpu.memory_space<hbm>>, %arg6: memref<80x128xi32, #tpu.memory_space<vmem>>, %arg7: memref<128xf32, #tpu.memory_space<vmem>>, %arg8: memref<10240xf32, #tpu.memory_space<vmem_shared>>) attributes {dimension_semantics = [#tpu.dimension_semantics<core_parallel>, #tpu.dimension_semantics<subcore_parallel>], iteration_bounds = array<i64: 2, 16>, scalar_prefetch = 0 : i64, scratch_operands = 3 : i64, tpu.core_type = #tpu.core_type<sc_vector_subcore>, window_params = [{transform_indices = #map}, {transform_indices = #map1}, {transform_indices = #map1}, {transform_indices = #map}]} {
    %mul3A = arith.constant 2 : i32
    %mul3A_0 = arith.muli %arg1, %mul3A : i32
    %add3A = arith.addi %mul3A_0, %arg0 : i32
    %mul3A_1 = arith.constant 640 : i32
    %mul3A_2 = arith.muli %arg1, %mul3A_1 : i32
    "tpu.region"() ({
      %run_scoped3A = tpu.sem_alloc : memref<!tpu.dma_semaphore, #tpu.memory_space<semaphore_mem>>
      %dma_start3A = tpu.memref_slice %arg8[%mul3A_2] : memref<10240xf32, #tpu.memory_space<vmem_shared>> -> memref<640xf32, #tpu.memory_space<vmem_shared>>
      tpu.enqueue_dma source(%arg3 : memref<640xf32, #tpu.memory_space<hbm>>) target(%dma_start3A : memref<640xf32, #tpu.memory_space<vmem_shared>>) target_semaphore(%run_scoped3A : memref<!tpu.dma_semaphore, #tpu.memory_space<semaphore_mem>>)
      %dma_wait3A = tpu.memref_slice %arg8[%mul3A_2] : memref<10240xf32, #tpu.memory_space<vmem_shared>> -> memref<640xf32, #tpu.memory_space<vmem_shared>>
      tpu.wait_dma2 semaphore(%run_scoped3A : memref<!tpu.dma_semaphore, #tpu.memory_space<semaphore_mem>>) src(%arg3 : memref<640xf32, #tpu.memory_space<hbm>>) dst(%dma_wait3A : memref<640xf32, #tpu.memory_space<vmem_shared>>)
      tpu.yield
    }) : () -> ()
    "tpu.region"() ({
      %run_scoped3A = tpu.sem_alloc : memref<!tpu.dma_semaphore, #tpu.memory_space<semaphore_mem>>
      tpu.enqueue_dma source(%arg4 : memref<128xf32, #tpu.memory_space<hbm>>) target(%arg7 : memref<128xf32, #tpu.memory_space<vmem>>) target_semaphore(%run_scoped3A : memref<!tpu.dma_semaphore, #tpu.memory_space<semaphore_mem>>)
      tpu.wait_dma2 semaphore(%run_scoped3A : memref<!tpu.dma_semaphore, #tpu.memory_space<semaphore_mem>>) src(%arg4 : memref<128xf32, #tpu.memory_space<hbm>>) dst(%arg7 : memref<128xf32, #tpu.memory_space<vmem>>)
      tpu.yield
    }) : () -> ()
    %mul3A_3 = arith.constant 80 : i32
    %mul3A_4 = arith.muli %add3A, %mul3A_3 : i32
    "tpu.region"() ({
      %run_scoped3A = tpu.sem_alloc : memref<!tpu.dma_semaphore, #tpu.memory_space<semaphore_mem>>
      %dma_start3A = arith.constant 0 : i32
      %dma_start3A_15 = tpu.memref_slice %arg2[%mul3A_4, %dma_start3A] : memref<2560x128xi32, #tpu.memory_space<hbm>> -> memref<80x128xi32, #tpu.memory_space<hbm>>
      %dma_start3A_16 = arith.constant 0 : i32
      %dma_start3A_17 = tpu.memref_slice %arg2[%mul3A_4, %dma_start3A_16] : memref<2560x128xi32, #tpu.memory_space<hbm>> -> memref<80x128xi32, #tpu.memory_space<hbm>>
      tpu.enqueue_dma source(%dma_start3A_17 : memref<80x128xi32, #tpu.memory_space<hbm>>) target(%arg6 : memref<80x128xi32, #tpu.memory_space<vmem>>) target_semaphore(%run_scoped3A : memref<!tpu.dma_semaphore, #tpu.memory_space<semaphore_mem>>)
      %dma_wait3A = arith.constant 0 : i32
      %dma_wait3A_18 = tpu.memref_slice %arg2[%mul3A_4, %dma_wait3A] : memref<2560x128xi32, #tpu.memory_space<hbm>> -> memref<80x128xi32, #tpu.memory_space<hbm>>
      %dma_wait3A_19 = arith.constant 0 : i32
      %dma_wait3A_20 = tpu.memref_slice %arg2[%mul3A_4, %dma_wait3A_19] : memref<2560x128xi32, #tpu.memory_space<hbm>> -> memref<80x128xi32, #tpu.memory_space<hbm>>
      tpu.wait_dma2 semaphore(%run_scoped3A : memref<!tpu.dma_semaphore, #tpu.memory_space<semaphore_mem>>) src(%dma_wait3A_20 : memref<80x128xi32, #tpu.memory_space<hbm>>) dst(%arg6 : memref<80x128xi32, #tpu.memory_space<vmem>>)
      tpu.yield
    }) : () -> ()
    %barrier3A = arith.constant 0 : index
    tpu.barrier barrier_id(%barrier3A)
    %scan3A = arith.constant 0 : i32
    %scan3A_5 = arith.constant 0 : i32
    %scan3A_6 = arith.constant 80 : i32
    %scan3A_7 = arith.addi %scan3A_5, %scan3A_6 : i32
    %scan3A_8 = arith.constant 1 : i32
    scf.for %scan3A_15 = %scan3A_5 to %scan3A_7 step %scan3A_8  : i32 {
      "tpu.region"() ({
        %run_scoped3A = tpu.sem_alloc : memref<!tpu.dma_semaphore, #tpu.memory_space<semaphore_mem>>
        %dma_start3A = arith.constant 0 : i32
        %dma_start3A_16 = tpu.memref_slice %arg6[%scan3A_15, %dma_start3A] : memref<80x128xi32, #tpu.memory_space<vmem>> -> memref<1x128xi32, #tpu.memory_space<vmem>>
        %dma_start3A_17 = tpu.memref_squeeze %dma_start3A_16 : memref<1x128xi32, #tpu.memory_space<vmem>> -> memref<128xi32, #tpu.memory_space<vmem>>
        %dma_start3A_18 = arith.constant 0 : i32
        %dma_start3A_19 = tpu.memref_slice %arg8[%dma_start3A_18] : memref<10240xf32, #tpu.memory_space<vmem_shared>> -> memref<10240xf32, #tpu.memory_space<vmem_shared>>
        tpu.enqueue_indirect_dma source(%arg7 : memref<128xf32, #tpu.memory_space<vmem>>) target(%dma_start3A_19 : memref<10240xf32, #tpu.memory_space<vmem_shared>>) offsets(%dma_start3A_17 : memref<128xi32, #tpu.memory_space<vmem>>) semaphore(%run_scoped3A : memref<!tpu.dma_semaphore, #tpu.memory_space<semaphore_mem>>) {add = true}
        %dma_wait3A = arith.constant 0 : i32
        %dma_wait3A_20 = tpu.memref_slice %arg6[%scan3A_15, %dma_wait3A] : memref<80x128xi32, #tpu.memory_space<vmem>> -> memref<1x128xi32, #tpu.memory_space<vmem>>
        %dma_wait3A_21 = tpu.memref_squeeze %dma_wait3A_20 : memref<1x128xi32, #tpu.memory_space<vmem>> -> memref<128xi32, #tpu.memory_space<vmem>>
        %dma_wait3A_22 = arith.constant 0 : i32
        %dma_wait3A_23 = tpu.memref_slice %arg8[%dma_wait3A_22] : memref<10240xf32, #tpu.memory_space<vmem_shared>> -> memref<10240xf32, #tpu.memory_space<vmem_shared>>
        tpu.wait_indirect_dma semaphore(%run_scoped3A : memref<!tpu.dma_semaphore, #tpu.memory_space<semaphore_mem>>) src(%arg7 : memref<128xf32, #tpu.memory_space<vmem>>) dst(%dma_wait3A_23 : memref<10240xf32, #tpu.memory_space<vmem_shared>>)
        tpu.yield
      }) : () -> ()
    }
    %scan3A_9 = arith.constant 80 : i32
    %barrier3A_10 = arith.constant 0 : index
    tpu.barrier barrier_id(%barrier3A_10)
    %mul3A_11 = arith.constant 640 : i32
    %mul3A_12 = arith.muli %arg1, %mul3A_11 : i32
    %mul3A_13 = arith.constant 640 : i32
    %mul3A_14 = arith.muli %arg1, %mul3A_13 : i32
    "tpu.region"() ({
      %run_scoped3A = tpu.sem_alloc : memref<!tpu.dma_semaphore, #tpu.memory_space<semaphore_mem>>
      %dma_start3A = tpu.memref_slice %arg5[%arg0, %mul3A_14] : memref<2x10240xf32, #tpu.memory_space<hbm>> -> memref<1x640xf32, #tpu.memory_space<hbm>>
      %dma_start3A_15 = tpu.memref_squeeze %dma_start3A : memref<1x640xf32, #tpu.memory_space<hbm>> -> memref<640xf32, #tpu.memory_space<hbm>>
      %dma_start3A_16 = tpu.memref_slice %arg8[%mul3A_12] : memref<10240xf32, #tpu.memory_space<vmem_shared>> -> memref<640xf32, #tpu.memory_space<vmem_shared>>
      tpu.enqueue_dma source(%dma_start3A_16 : memref<640xf32, #tpu.memory_space<vmem_shared>>) target(%dma_start3A_15 : memref<640xf32, #tpu.memory_space<hbm>>) target_semaphore(%run_scoped3A : memref<!tpu.dma_semaphore, #tpu.memory_space<semaphore_mem>>)
      %dma_wait3A = tpu.memref_slice %arg5[%arg0, %mul3A_14] : memref<2x10240xf32, #tpu.memory_space<hbm>> -> memref<1x640xf32, #tpu.memory_space<hbm>>
      %dma_wait3A_17 = tpu.memref_squeeze %dma_wait3A : memref<1x640xf32, #tpu.memory_space<hbm>> -> memref<640xf32, #tpu.memory_space<hbm>>
      %dma_wait3A_18 = tpu.memref_slice %arg8[%mul3A_12] : memref<10240xf32, #tpu.memory_space<vmem_shared>> -> memref<640xf32, #tpu.memory_space<vmem_shared>>
      tpu.wait_dma2 semaphore(%run_scoped3A : memref<!tpu.dma_semaphore, #tpu.memory_space<semaphore_mem>>) src(%dma_wait3A_18 : memref<640xf32, #tpu.memory_space<vmem_shared>>) dst(%dma_wait3A_17 : memref<640xf32, #tpu.memory_space<hbm>>)
      tpu.yield
    }) : () -> ()
    return
  }
}

#map = affine_map<(d0, d1) -> (0, 0)>
#map1 = affine_map<(d0, d1) -> (0, 0, 0)>
module attributes {stable_mosaic.version = 14 : i64} {
  func.func @scat_kernel(%arg0: i32, %arg1: i32, %arg2: memref<10240x128xf32, #tpu.memory_space<hbm>>, %arg3: memref<2560x128xi32, #tpu.memory_space<hbm>>, %arg4: memref<2560x128xi32, #tpu.memory_space<hbm>>, %arg5: memref<640x128xf32, #tpu.memory_space<hbm>>, %arg6: memref<2x10240x128xf32, #tpu.memory_space<hbm>>, %arg7: memref<80x128xi32, #tpu.memory_space<vmem>>, %arg8: memref<80x128xi32, #tpu.memory_space<vmem>>, %arg9: memref<128x128xf32, #tpu.memory_space<vmem>>, %arg10: memref<10240x128xf32, #tpu.memory_space<vmem_shared>>, %arg11: memref<!tpu.dma_semaphore, #tpu.memory_space<semaphore_mem>>) attributes {dimension_semantics = [#tpu.dimension_semantics<core_parallel>, #tpu.dimension_semantics<subcore_parallel>], iteration_bounds = array<i64: 2, 16>, scalar_prefetch = 0 : i64, scratch_operands = 5 : i64, tpu.core_type = #tpu.core_type<sc_vector_subcore>, window_params = [{transform_indices = #map}, {transform_indices = #map}, {transform_indices = #map}, {transform_indices = #map}, {transform_indices = #map1}]} {
    %mul3A = arith.constant 2 : i32
    %mul3A_0 = arith.muli %arg1, %mul3A : i32
    %add3A = arith.addi %mul3A_0, %arg0 : i32
    %mul3A_1 = arith.constant 640 : i32
    %mul3A_2 = arith.muli %arg1, %mul3A_1 : i32
    "tpu.region"() ({
      %run_scoped3A = tpu.sem_alloc : memref<!tpu.dma_semaphore, #tpu.memory_space<semaphore_mem>>
      %dma_start3A = arith.constant 0 : i32
      %dma_start3A_17 = tpu.memref_slice %arg10[%mul3A_2, %dma_start3A] : memref<10240x128xf32, #tpu.memory_space<vmem_shared>> -> memref<640x128xf32, #tpu.memory_space<vmem_shared>>
      tpu.enqueue_dma source(%arg5 : memref<640x128xf32, #tpu.memory_space<hbm>>) target(%dma_start3A_17 : memref<640x128xf32, #tpu.memory_space<vmem_shared>>) target_semaphore(%run_scoped3A : memref<!tpu.dma_semaphore, #tpu.memory_space<semaphore_mem>>)
      %dma_wait3A = arith.constant 0 : i32
      %dma_wait3A_18 = tpu.memref_slice %arg10[%mul3A_2, %dma_wait3A] : memref<10240x128xf32, #tpu.memory_space<vmem_shared>> -> memref<640x128xf32, #tpu.memory_space<vmem_shared>>
      tpu.wait_dma2 semaphore(%run_scoped3A : memref<!tpu.dma_semaphore, #tpu.memory_space<semaphore_mem>>) src(%arg5 : memref<640x128xf32, #tpu.memory_space<hbm>>) dst(%dma_wait3A_18 : memref<640x128xf32, #tpu.memory_space<vmem_shared>>)
      tpu.yield
    }) : () -> ()
    %mul3A_3 = arith.constant 80 : i32
    %mul3A_4 = arith.muli %add3A, %mul3A_3 : i32
    "tpu.region"() ({
      %run_scoped3A = tpu.sem_alloc : memref<!tpu.dma_semaphore, #tpu.memory_space<semaphore_mem>>
      %dma_start3A = arith.constant 0 : i32
      %dma_start3A_17 = tpu.memref_slice %arg3[%mul3A_4, %dma_start3A] : memref<2560x128xi32, #tpu.memory_space<hbm>> -> memref<80x128xi32, #tpu.memory_space<hbm>>
      %dma_start3A_18 = arith.constant 0 : i32
      %dma_start3A_19 = tpu.memref_slice %arg3[%mul3A_4, %dma_start3A_18] : memref<2560x128xi32, #tpu.memory_space<hbm>> -> memref<80x128xi32, #tpu.memory_space<hbm>>
      tpu.enqueue_dma source(%dma_start3A_19 : memref<80x128xi32, #tpu.memory_space<hbm>>) target(%arg7 : memref<80x128xi32, #tpu.memory_space<vmem>>) target_semaphore(%run_scoped3A : memref<!tpu.dma_semaphore, #tpu.memory_space<semaphore_mem>>)
      %dma_wait3A = arith.constant 0 : i32
      %dma_wait3A_20 = tpu.memref_slice %arg3[%mul3A_4, %dma_wait3A] : memref<2560x128xi32, #tpu.memory_space<hbm>> -> memref<80x128xi32, #tpu.memory_space<hbm>>
      %dma_wait3A_21 = arith.constant 0 : i32
      %dma_wait3A_22 = tpu.memref_slice %arg3[%mul3A_4, %dma_wait3A_21] : memref<2560x128xi32, #tpu.memory_space<hbm>> -> memref<80x128xi32, #tpu.memory_space<hbm>>
      tpu.wait_dma2 semaphore(%run_scoped3A : memref<!tpu.dma_semaphore, #tpu.memory_space<semaphore_mem>>) src(%dma_wait3A_22 : memref<80x128xi32, #tpu.memory_space<hbm>>) dst(%arg7 : memref<80x128xi32, #tpu.memory_space<vmem>>)
      tpu.yield
    }) : () -> ()
    %mul3A_5 = arith.constant 80 : i32
    %mul3A_6 = arith.muli %add3A, %mul3A_5 : i32
    "tpu.region"() ({
      %run_scoped3A = tpu.sem_alloc : memref<!tpu.dma_semaphore, #tpu.memory_space<semaphore_mem>>
      %dma_start3A = arith.constant 0 : i32
      %dma_start3A_17 = tpu.memref_slice %arg4[%mul3A_6, %dma_start3A] : memref<2560x128xi32, #tpu.memory_space<hbm>> -> memref<80x128xi32, #tpu.memory_space<hbm>>
      %dma_start3A_18 = arith.constant 0 : i32
      %dma_start3A_19 = tpu.memref_slice %arg4[%mul3A_6, %dma_start3A_18] : memref<2560x128xi32, #tpu.memory_space<hbm>> -> memref<80x128xi32, #tpu.memory_space<hbm>>
      tpu.enqueue_dma source(%dma_start3A_19 : memref<80x128xi32, #tpu.memory_space<hbm>>) target(%arg8 : memref<80x128xi32, #tpu.memory_space<vmem>>) target_semaphore(%run_scoped3A : memref<!tpu.dma_semaphore, #tpu.memory_space<semaphore_mem>>)
      %dma_wait3A = arith.constant 0 : i32
      %dma_wait3A_20 = tpu.memref_slice %arg4[%mul3A_6, %dma_wait3A] : memref<2560x128xi32, #tpu.memory_space<hbm>> -> memref<80x128xi32, #tpu.memory_space<hbm>>
      %dma_wait3A_21 = arith.constant 0 : i32
      %dma_wait3A_22 = tpu.memref_slice %arg4[%mul3A_6, %dma_wait3A_21] : memref<2560x128xi32, #tpu.memory_space<hbm>> -> memref<80x128xi32, #tpu.memory_space<hbm>>
      tpu.wait_dma2 semaphore(%run_scoped3A : memref<!tpu.dma_semaphore, #tpu.memory_space<semaphore_mem>>) src(%dma_wait3A_22 : memref<80x128xi32, #tpu.memory_space<hbm>>) dst(%arg8 : memref<80x128xi32, #tpu.memory_space<vmem>>)
      tpu.yield
    }) : () -> ()
    %barrier3A = arith.constant 0 : index
    tpu.barrier barrier_id(%barrier3A)
    %scan3A = arith.constant 0 : i32
    %scan3A_7 = arith.constant 0 : i32
    %scan3A_8 = arith.constant 80 : i32
    %scan3A_9 = arith.addi %scan3A_7, %scan3A_8 : i32
    %scan3A_10 = arith.constant 1 : i32
    scf.for %scan3A_17 = %scan3A_7 to %scan3A_9 step %scan3A_10  : i32 {
      %dma_start3A = arith.constant 0 : i32
      %dma_start3A_18 = tpu.memref_slice %arg7[%scan3A_17, %dma_start3A] : memref<80x128xi32, #tpu.memory_space<vmem>> -> memref<1x128xi32, #tpu.memory_space<vmem>>
      %dma_start3A_19 = tpu.memref_squeeze %dma_start3A_18 : memref<1x128xi32, #tpu.memory_space<vmem>> -> memref<128xi32, #tpu.memory_space<vmem>>
      %dma_start3A_20 = arith.constant 0 : i32
      %dma_start3A_21 = arith.constant 0 : i32
      %dma_start3A_22 = tpu.memref_slice %arg2[%dma_start3A_20, %dma_start3A_21] : memref<10240x128xf32, #tpu.memory_space<hbm>> -> memref<10240x128xf32, #tpu.memory_space<hbm>>
      tpu.enqueue_indirect_dma source(%dma_start3A_22 : memref<10240x128xf32, #tpu.memory_space<hbm>>) target(%arg9 : memref<128x128xf32, #tpu.memory_space<vmem>>) offsets(%dma_start3A_19 : memref<128xi32, #tpu.memory_space<vmem>>) semaphore(%arg11 : memref<!tpu.dma_semaphore, #tpu.memory_space<semaphore_mem>>)
      %dma_wait3A = arith.constant 0 : i32
      %dma_wait3A_23 = tpu.memref_slice %arg7[%scan3A_17, %dma_wait3A] : memref<80x128xi32, #tpu.memory_space<vmem>> -> memref<1x128xi32, #tpu.memory_space<vmem>>
      %dma_wait3A_24 = tpu.memref_squeeze %dma_wait3A_23 : memref<1x128xi32, #tpu.memory_space<vmem>> -> memref<128xi32, #tpu.memory_space<vmem>>
      %dma_wait3A_25 = arith.constant 0 : i32
      %dma_wait3A_26 = arith.constant 0 : i32
      %dma_wait3A_27 = tpu.memref_slice %arg2[%dma_wait3A_25, %dma_wait3A_26] : memref<10240x128xf32, #tpu.memory_space<hbm>> -> memref<10240x128xf32, #tpu.memory_space<hbm>>
      tpu.wait_indirect_dma semaphore(%arg11 : memref<!tpu.dma_semaphore, #tpu.memory_space<semaphore_mem>>) src(%dma_wait3A_27 : memref<10240x128xf32, #tpu.memory_space<hbm>>) dst(%arg9 : memref<128x128xf32, #tpu.memory_space<vmem>>)
      "tpu.region"() ({
        %run_scoped3A = tpu.sem_alloc : memref<!tpu.dma_semaphore, #tpu.memory_space<semaphore_mem>>
        %dma_start3A_28 = arith.constant 0 : i32
        %dma_start3A_29 = tpu.memref_slice %arg8[%scan3A_17, %dma_start3A_28] : memref<80x128xi32, #tpu.memory_space<vmem>> -> memref<1x128xi32, #tpu.memory_space<vmem>>
        %dma_start3A_30 = tpu.memref_squeeze %dma_start3A_29 : memref<1x128xi32, #tpu.memory_space<vmem>> -> memref<128xi32, #tpu.memory_space<vmem>>
        %dma_start3A_31 = arith.constant 0 : i32
        %dma_start3A_32 = arith.constant 0 : i32
        %dma_start3A_33 = tpu.memref_slice %arg10[%dma_start3A_31, %dma_start3A_32] : memref<10240x128xf32, #tpu.memory_space<vmem_shared>> -> memref<10240x128xf32, #tpu.memory_space<vmem_shared>>
        tpu.enqueue_indirect_dma source(%arg9 : memref<128x128xf32, #tpu.memory_space<vmem>>) target(%dma_start3A_33 : memref<10240x128xf32, #tpu.memory_space<vmem_shared>>) offsets(%dma_start3A_30 : memref<128xi32, #tpu.memory_space<vmem>>) semaphore(%run_scoped3A : memref<!tpu.dma_semaphore, #tpu.memory_space<semaphore_mem>>) {add = true}
        %dma_wait3A_34 = arith.constant 0 : i32
        %dma_wait3A_35 = tpu.memref_slice %arg8[%scan3A_17, %dma_wait3A_34] : memref<80x128xi32, #tpu.memory_space<vmem>> -> memref<1x128xi32, #tpu.memory_space<vmem>>
        %dma_wait3A_36 = tpu.memref_squeeze %dma_wait3A_35 : memref<1x128xi32, #tpu.memory_space<vmem>> -> memref<128xi32, #tpu.memory_space<vmem>>
        %dma_wait3A_37 = arith.constant 0 : i32
        %dma_wait3A_38 = arith.constant 0 : i32
        %dma_wait3A_39 = tpu.memref_slice %arg10[%dma_wait3A_37, %dma_wait3A_38] : memref<10240x128xf32, #tpu.memory_space<vmem_shared>> -> memref<10240x128xf32, #tpu.memory_space<vmem_shared>>
        tpu.wait_indirect_dma semaphore(%run_scoped3A : memref<!tpu.dma_semaphore, #tpu.memory_space<semaphore_mem>>) src(%arg9 : memref<128x128xf32, #tpu.memory_space<vmem>>) dst(%dma_wait3A_39 : memref<10240x128xf32, #tpu.memory_space<vmem_shared>>)
        tpu.yield
      }) : () -> ()
    }
    %scan3A_11 = arith.constant 80 : i32
    %barrier3A_12 = arith.constant 0 : index
    tpu.barrier barrier_id(%barrier3A_12)
    %mul3A_13 = arith.constant 640 : i32
    %mul3A_14 = arith.muli %arg1, %mul3A_13 : i32
    %mul3A_15 = arith.constant 640 : i32
    %mul3A_16 = arith.muli %arg1, %mul3A_15 : i32
    "tpu.region"() ({
      %run_scoped3A = tpu.sem_alloc : memref<!tpu.dma_semaphore, #tpu.memory_space<semaphore_mem>>
      %dma_start3A = arith.constant 0 : i32
      %dma_start3A_17 = tpu.memref_slice %arg6[%arg0, %mul3A_16, %dma_start3A] : memref<2x10240x128xf32, #tpu.memory_space<hbm>> -> memref<1x640x128xf32, #tpu.memory_space<hbm>>
      %dma_start3A_18 = tpu.memref_squeeze %dma_start3A_17 : memref<1x640x128xf32, #tpu.memory_space<hbm>> -> memref<640x128xf32, #tpu.memory_space<hbm>>
      %dma_start3A_19 = arith.constant 0 : i32
      %dma_start3A_20 = tpu.memref_slice %arg10[%mul3A_14, %dma_start3A_19] : memref<10240x128xf32, #tpu.memory_space<vmem_shared>> -> memref<640x128xf32, #tpu.memory_space<vmem_shared>>
      tpu.enqueue_dma source(%dma_start3A_20 : memref<640x128xf32, #tpu.memory_space<vmem_shared>>) target(%dma_start3A_18 : memref<640x128xf32, #tpu.memory_space<hbm>>) target_semaphore(%run_scoped3A : memref<!tpu.dma_semaphore, #tpu.memory_space<semaphore_mem>>)
      %dma_wait3A = arith.constant 0 : i32
      %dma_wait3A_21 = tpu.memref_slice %arg6[%arg0, %mul3A_16, %dma_wait3A] : memref<2x10240x128xf32, #tpu.memory_space<hbm>> -> memref<1x640x128xf32, #tpu.memory_space<hbm>>
      %dma_wait3A_22 = tpu.memref_squeeze %dma_wait3A_21 : memref<1x640x128xf32, #tpu.memory_space<hbm>> -> memref<640x128xf32, #tpu.memory_space<hbm>>
      %dma_wait3A_23 = arith.constant 0 : i32
      %dma_wait3A_24 = tpu.memref_slice %arg10[%mul3A_14, %dma_wait3A_23] : memref<10240x128xf32, #tpu.memory_space<vmem_shared>> -> memref<640x128xf32, #tpu.memory_space<vmem_shared>>
      tpu.wait_dma2 semaphore(%run_scoped3A : memref<!tpu.dma_semaphore, #tpu.memory_space<semaphore_mem>>) src(%dma_wait3A_24 : memref<640x128xf32, #tpu.memory_space<vmem_shared>>) dst(%dma_wait3A_22 : memref<640x128xf32, #tpu.memory_space<hbm>>)
      tpu.yield
    }) : () -> ()
    return
  }
}

#map = affine_map<(d0, d1) -> (0, 0)>
#map1 = affine_map<(d0, d1) -> (0, 0, 0)>
module attributes {stable_mosaic.version = 14 : i64} {
  func.func @scat_kernel(%arg0: i32, %arg1: i32, %arg2: memref<10240x128xf32, #tpu.memory_space<hbm>>, %arg3: memref<2560x128xi32, #tpu.memory_space<hbm>>, %arg4: memref<2560x128xi32, #tpu.memory_space<hbm>>, %arg5: memref<640x128xf32, #tpu.memory_space<hbm>>, %arg6: memref<2x10240x128xf32, #tpu.memory_space<hbm>>, %arg7: memref<80x128xi32, #tpu.memory_space<vmem>>, %arg8: memref<80x128xi32, #tpu.memory_space<vmem>>, %arg9: memref<128x128xf32, #tpu.memory_space<vmem>>, %arg10: memref<10240x128xf32, #tpu.memory_space<vmem_shared>>, %arg11: memref<!tpu.dma_semaphore, #tpu.memory_space<semaphore_mem>>) attributes {dimension_semantics = [#tpu.dimension_semantics<core_parallel>, #tpu.dimension_semantics<subcore_parallel>], iteration_bounds = array<i64: 2, 16>, scalar_prefetch = 0 : i64, scratch_operands = 5 : i64, tpu.core_type = #tpu.core_type<sc_vector_subcore>, window_params = [{transform_indices = #map}, {transform_indices = #map}, {transform_indices = #map}, {transform_indices = #map}, {transform_indices = #map1}]} {
    %mul3A = arith.constant 2 : i32
    %mul3A_0 = arith.muli %arg1, %mul3A : i32
    %add3A = arith.addi %mul3A_0, %arg0 : i32
    %mul3A_1 = arith.constant 640 : i32
    %mul3A_2 = arith.muli %arg1, %mul3A_1 : i32
    "tpu.region"() ({
      %run_scoped3A = tpu.sem_alloc : memref<!tpu.dma_semaphore, #tpu.memory_space<semaphore_mem>>
      %dma_start3A = arith.constant 0 : i32
      %dma_start3A_17 = tpu.memref_slice %arg10[%mul3A_2, %dma_start3A] : memref<10240x128xf32, #tpu.memory_space<vmem_shared>> -> memref<640x128xf32, #tpu.memory_space<vmem_shared>>
      tpu.enqueue_dma source(%arg5 : memref<640x128xf32, #tpu.memory_space<hbm>>) target(%dma_start3A_17 : memref<640x128xf32, #tpu.memory_space<vmem_shared>>) target_semaphore(%run_scoped3A : memref<!tpu.dma_semaphore, #tpu.memory_space<semaphore_mem>>)
      %dma_wait3A = arith.constant 0 : i32
      %dma_wait3A_18 = tpu.memref_slice %arg10[%mul3A_2, %dma_wait3A] : memref<10240x128xf32, #tpu.memory_space<vmem_shared>> -> memref<640x128xf32, #tpu.memory_space<vmem_shared>>
      tpu.wait_dma2 semaphore(%run_scoped3A : memref<!tpu.dma_semaphore, #tpu.memory_space<semaphore_mem>>) src(%arg5 : memref<640x128xf32, #tpu.memory_space<hbm>>) dst(%dma_wait3A_18 : memref<640x128xf32, #tpu.memory_space<vmem_shared>>)
      tpu.yield
    }) : () -> ()
    %mul3A_3 = arith.constant 80 : i32
    %mul3A_4 = arith.muli %add3A, %mul3A_3 : i32
    "tpu.region"() ({
      %run_scoped3A = tpu.sem_alloc : memref<!tpu.dma_semaphore, #tpu.memory_space<semaphore_mem>>
      %dma_start3A = arith.constant 0 : i32
      %dma_start3A_17 = tpu.memref_slice %arg3[%mul3A_4, %dma_start3A] : memref<2560x128xi32, #tpu.memory_space<hbm>> -> memref<80x128xi32, #tpu.memory_space<hbm>>
      %dma_start3A_18 = arith.constant 0 : i32
      %dma_start3A_19 = tpu.memref_slice %arg3[%mul3A_4, %dma_start3A_18] : memref<2560x128xi32, #tpu.memory_space<hbm>> -> memref<80x128xi32, #tpu.memory_space<hbm>>
      tpu.enqueue_dma source(%dma_start3A_19 : memref<80x128xi32, #tpu.memory_space<hbm>>) target(%arg7 : memref<80x128xi32, #tpu.memory_space<vmem>>) target_semaphore(%run_scoped3A : memref<!tpu.dma_semaphore, #tpu.memory_space<semaphore_mem>>)
      %dma_wait3A = arith.constant 0 : i32
      %dma_wait3A_20 = tpu.memref_slice %arg3[%mul3A_4, %dma_wait3A] : memref<2560x128xi32, #tpu.memory_space<hbm>> -> memref<80x128xi32, #tpu.memory_space<hbm>>
      %dma_wait3A_21 = arith.constant 0 : i32
      %dma_wait3A_22 = tpu.memref_slice %arg3[%mul3A_4, %dma_wait3A_21] : memref<2560x128xi32, #tpu.memory_space<hbm>> -> memref<80x128xi32, #tpu.memory_space<hbm>>
      tpu.wait_dma2 semaphore(%run_scoped3A : memref<!tpu.dma_semaphore, #tpu.memory_space<semaphore_mem>>) src(%dma_wait3A_22 : memref<80x128xi32, #tpu.memory_space<hbm>>) dst(%arg7 : memref<80x128xi32, #tpu.memory_space<vmem>>)
      tpu.yield
    }) : () -> ()
    %mul3A_5 = arith.constant 80 : i32
    %mul3A_6 = arith.muli %add3A, %mul3A_5 : i32
    "tpu.region"() ({
      %run_scoped3A = tpu.sem_alloc : memref<!tpu.dma_semaphore, #tpu.memory_space<semaphore_mem>>
      %dma_start3A = arith.constant 0 : i32
      %dma_start3A_17 = tpu.memref_slice %arg4[%mul3A_6, %dma_start3A] : memref<2560x128xi32, #tpu.memory_space<hbm>> -> memref<80x128xi32, #tpu.memory_space<hbm>>
      %dma_start3A_18 = arith.constant 0 : i32
      %dma_start3A_19 = tpu.memref_slice %arg4[%mul3A_6, %dma_start3A_18] : memref<2560x128xi32, #tpu.memory_space<hbm>> -> memref<80x128xi32, #tpu.memory_space<hbm>>
      tpu.enqueue_dma source(%dma_start3A_19 : memref<80x128xi32, #tpu.memory_space<hbm>>) target(%arg8 : memref<80x128xi32, #tpu.memory_space<vmem>>) target_semaphore(%run_scoped3A : memref<!tpu.dma_semaphore, #tpu.memory_space<semaphore_mem>>)
      %dma_wait3A = arith.constant 0 : i32
      %dma_wait3A_20 = tpu.memref_slice %arg4[%mul3A_6, %dma_wait3A] : memref<2560x128xi32, #tpu.memory_space<hbm>> -> memref<80x128xi32, #tpu.memory_space<hbm>>
      %dma_wait3A_21 = arith.constant 0 : i32
      %dma_wait3A_22 = tpu.memref_slice %arg4[%mul3A_6, %dma_wait3A_21] : memref<2560x128xi32, #tpu.memory_space<hbm>> -> memref<80x128xi32, #tpu.memory_space<hbm>>
      tpu.wait_dma2 semaphore(%run_scoped3A : memref<!tpu.dma_semaphore, #tpu.memory_space<semaphore_mem>>) src(%dma_wait3A_22 : memref<80x128xi32, #tpu.memory_space<hbm>>) dst(%arg8 : memref<80x128xi32, #tpu.memory_space<vmem>>)
      tpu.yield
    }) : () -> ()
    %barrier3A = arith.constant 0 : index
    tpu.barrier barrier_id(%barrier3A)
    %scan3A = arith.constant 0 : i32
    %scan3A_7 = arith.constant 0 : i32
    %scan3A_8 = arith.constant 80 : i32
    %scan3A_9 = arith.addi %scan3A_7, %scan3A_8 : i32
    %scan3A_10 = arith.constant 1 : i32
    scf.for %scan3A_17 = %scan3A_7 to %scan3A_9 step %scan3A_10  : i32 {
      %dma_start3A = arith.constant 0 : i32
      %dma_start3A_18 = tpu.memref_slice %arg7[%scan3A_17, %dma_start3A] : memref<80x128xi32, #tpu.memory_space<vmem>> -> memref<1x128xi32, #tpu.memory_space<vmem>>
      %dma_start3A_19 = tpu.memref_squeeze %dma_start3A_18 : memref<1x128xi32, #tpu.memory_space<vmem>> -> memref<128xi32, #tpu.memory_space<vmem>>
      %dma_start3A_20 = arith.constant 0 : i32
      %dma_start3A_21 = arith.constant 0 : i32
      %dma_start3A_22 = tpu.memref_slice %arg2[%dma_start3A_20, %dma_start3A_21] : memref<10240x128xf32, #tpu.memory_space<hbm>> -> memref<10240x128xf32, #tpu.memory_space<hbm>>
      tpu.enqueue_indirect_dma source(%dma_start3A_22 : memref<10240x128xf32, #tpu.memory_space<hbm>>) target(%arg9 : memref<128x128xf32, #tpu.memory_space<vmem>>) offsets(%dma_start3A_19 : memref<128xi32, #tpu.memory_space<vmem>>) semaphore(%arg11 : memref<!tpu.dma_semaphore, #tpu.memory_space<semaphore_mem>>)
      %dma_wait3A = arith.constant 0 : i32
      %dma_wait3A_23 = tpu.memref_slice %arg7[%scan3A_17, %dma_wait3A] : memref<80x128xi32, #tpu.memory_space<vmem>> -> memref<1x128xi32, #tpu.memory_space<vmem>>
      %dma_wait3A_24 = tpu.memref_squeeze %dma_wait3A_23 : memref<1x128xi32, #tpu.memory_space<vmem>> -> memref<128xi32, #tpu.memory_space<vmem>>
      %dma_wait3A_25 = arith.constant 0 : i32
      %dma_wait3A_26 = arith.constant 0 : i32
      %dma_wait3A_27 = tpu.memref_slice %arg2[%dma_wait3A_25, %dma_wait3A_26] : memref<10240x128xf32, #tpu.memory_space<hbm>> -> memref<10240x128xf32, #tpu.memory_space<hbm>>
      tpu.wait_indirect_dma semaphore(%arg11 : memref<!tpu.dma_semaphore, #tpu.memory_space<semaphore_mem>>) src(%dma_wait3A_27 : memref<10240x128xf32, #tpu.memory_space<hbm>>) dst(%arg9 : memref<128x128xf32, #tpu.memory_space<vmem>>)
      "tpu.region"() ({
        %run_scoped3A = tpu.sem_alloc : memref<!tpu.dma_semaphore, #tpu.memory_space<semaphore_mem>>
        %dma_start3A_28 = arith.constant 0 : i32
        %dma_start3A_29 = tpu.memref_slice %arg8[%scan3A_17, %dma_start3A_28] : memref<80x128xi32, #tpu.memory_space<vmem>> -> memref<1x128xi32, #tpu.memory_space<vmem>>
        %dma_start3A_30 = tpu.memref_squeeze %dma_start3A_29 : memref<1x128xi32, #tpu.memory_space<vmem>> -> memref<128xi32, #tpu.memory_space<vmem>>
        %dma_start3A_31 = arith.constant 0 : i32
        %dma_start3A_32 = arith.constant 0 : i32
        %dma_start3A_33 = tpu.memref_slice %arg10[%dma_start3A_31, %dma_start3A_32] : memref<10240x128xf32, #tpu.memory_space<vmem_shared>> -> memref<10240x128xf32, #tpu.memory_space<vmem_shared>>
        tpu.enqueue_indirect_dma source(%arg9 : memref<128x128xf32, #tpu.memory_space<vmem>>) target(%dma_start3A_33 : memref<10240x128xf32, #tpu.memory_space<vmem_shared>>) offsets(%dma_start3A_30 : memref<128xi32, #tpu.memory_space<vmem>>) semaphore(%run_scoped3A : memref<!tpu.dma_semaphore, #tpu.memory_space<semaphore_mem>>) {add = true}
        %dma_wait3A_34 = arith.constant 0 : i32
        %dma_wait3A_35 = tpu.memref_slice %arg8[%scan3A_17, %dma_wait3A_34] : memref<80x128xi32, #tpu.memory_space<vmem>> -> memref<1x128xi32, #tpu.memory_space<vmem>>
        %dma_wait3A_36 = tpu.memref_squeeze %dma_wait3A_35 : memref<1x128xi32, #tpu.memory_space<vmem>> -> memref<128xi32, #tpu.memory_space<vmem>>
        %dma_wait3A_37 = arith.constant 0 : i32
        %dma_wait3A_38 = arith.constant 0 : i32
        %dma_wait3A_39 = tpu.memref_slice %arg10[%dma_wait3A_37, %dma_wait3A_38] : memref<10240x128xf32, #tpu.memory_space<vmem_shared>> -> memref<10240x128xf32, #tpu.memory_space<vmem_shared>>
        tpu.wait_indirect_dma semaphore(%run_scoped3A : memref<!tpu.dma_semaphore, #tpu.memory_space<semaphore_mem>>) src(%arg9 : memref<128x128xf32, #tpu.memory_space<vmem>>) dst(%dma_wait3A_39 : memref<10240x128xf32, #tpu.memory_space<vmem_shared>>)
        tpu.yield
      }) : () -> ()
    }
    %scan3A_11 = arith.constant 80 : i32
    %barrier3A_12 = arith.constant 0 : index
    tpu.barrier barrier_id(%barrier3A_12)
    %mul3A_13 = arith.constant 640 : i32
    %mul3A_14 = arith.muli %arg1, %mul3A_13 : i32
    %mul3A_15 = arith.constant 640 : i32
    %mul3A_16 = arith.muli %arg1, %mul3A_15 : i32
    "tpu.region"() ({
      %run_scoped3A = tpu.sem_alloc : memref<!tpu.dma_semaphore, #tpu.memory_space<semaphore_mem>>
      %dma_start3A = arith.constant 0 : i32
      %dma_start3A_17 = tpu.memref_slice %arg6[%arg0, %mul3A_16, %dma_start3A] : memref<2x10240x128xf32, #tpu.memory_space<hbm>> -> memref<1x640x128xf32, #tpu.memory_space<hbm>>
      %dma_start3A_18 = tpu.memref_squeeze %dma_start3A_17 : memref<1x640x128xf32, #tpu.memory_space<hbm>> -> memref<640x128xf32, #tpu.memory_space<hbm>>
      %dma_start3A_19 = arith.constant 0 : i32
      %dma_start3A_20 = tpu.memref_slice %arg10[%mul3A_14, %dma_start3A_19] : memref<10240x128xf32, #tpu.memory_space<vmem_shared>> -> memref<640x128xf32, #tpu.memory_space<vmem_shared>>
      tpu.enqueue_dma source(%dma_start3A_20 : memref<640x128xf32, #tpu.memory_space<vmem_shared>>) target(%dma_start3A_18 : memref<640x128xf32, #tpu.memory_space<hbm>>) target_semaphore(%run_scoped3A : memref<!tpu.dma_semaphore, #tpu.memory_space<semaphore_mem>>)
      %dma_wait3A = arith.constant 0 : i32
      %dma_wait3A_21 = tpu.memref_slice %arg6[%arg0, %mul3A_16, %dma_wait3A] : memref<2x10240x128xf32, #tpu.memory_space<hbm>> -> memref<1x640x128xf32, #tpu.memory_space<hbm>>
      %dma_wait3A_22 = tpu.memref_squeeze %dma_wait3A_21 : memref<1x640x128xf32, #tpu.memory_space<hbm>> -> memref<640x128xf32, #tpu.memory_space<hbm>>
      %dma_wait3A_23 = arith.constant 0 : i32
      %dma_wait3A_24 = tpu.memref_slice %arg10[%mul3A_14, %dma_wait3A_23] : memref<10240x128xf32, #tpu.memory_space<vmem_shared>> -> memref<640x128xf32, #tpu.memory_space<vmem_shared>>
      tpu.wait_dma2 semaphore(%run_scoped3A : memref<!tpu.dma_semaphore, #tpu.memory_space<semaphore_mem>>) src(%dma_wait3A_24 : memref<640x128xf32, #tpu.memory_space<vmem_shared>>) dst(%dma_wait3A_22 : memref<640x128xf32, #tpu.memory_space<hbm>>)
      tpu.yield
    }) : () -> ()
    return
  }
}

module attributes {stable_mosaic.version = 14 : i64} {
  func.func @body(%arg0: i32, %arg1: memref<2x1024x1xf32, #tpu.memory_space<vmem>>, %arg2: memref<1024x128xf32, #tpu.memory_space<vmem>>, %arg3: memref<1024x1xf32, #tpu.memory_space<vmem>>, %arg4: memref<1024x128xf32, #tpu.memory_space<vmem>>) attributes {dimension_semantics = [#tpu.dimension_semantics<arbitrary>], iteration_bounds = array<i64: 10>, scalar_prefetch = 0 : i64, scratch_operands = 0 : i64, tpu.core_type = #tpu.core_type<tc>, window_params = [{transform_indices = @transform_0, window_bounds = array<i64: 2, 1024, 1>}, {transform_indices = @transform_1, window_bounds = array<i64: 1024, 128>}, {transform_indices = @transform_2, window_bounds = array<i64: 1024, 1>}, {transform_indices = @transform_3, window_bounds = array<i64: 1024, 128>}]} {
    %get3A = arith.constant 0 : index
    %get3A_0 = arith.constant 0 : index
    %get3A_1 = arith.constant 0 : index
    %get3A_2 = vector.load %arg1[%get3A, %get3A_0, %get3A_1] : memref<2x1024x1xf32, #tpu.memory_space<vmem>>, vector<1x1024x1xf32>
    %get3A_3 = vector.shape_cast %get3A_2 : vector<1x1024x1xf32> to vector<1024x1xf32>
    %get3A_4 = arith.constant 1 : index
    %get3A_5 = arith.constant 0 : index
    %get3A_6 = arith.constant 0 : index
    %get3A_7 = vector.load %arg1[%get3A_4, %get3A_5, %get3A_6] : memref<2x1024x1xf32, #tpu.memory_space<vmem>>, vector<1x1024x1xf32>
    %get3A_8 = vector.shape_cast %get3A_7 : vector<1x1024x1xf32> to vector<1024x1xf32>
    %add3A = arith.addf %get3A_3, %get3A_8 : vector<1024x1xf32>
    %add3A_9 = arith.constant 1.000000e+00 : f32
    %add3A_10 = vector.broadcast %add3A_9 : f32 to vector<1024x1xf32>
    %add3A_11 = arith.addf %add3A, %add3A_10 : vector<1024x1xf32>
    %rsqrt3A = math.rsqrt %add3A_11 : vector<1024x1xf32>
    %swap3A = arith.constant 0 : index
    %swap3A_12 = arith.constant 0 : index
    %swap3A_13 = vector.load %arg3[%swap3A, %swap3A_12] : memref<1024x1xf32, #tpu.memory_space<vmem>>, vector<1024x1xf32>
    tpu.vector_store %arg3[%swap3A, %swap3A_12], %rsqrt3A {strides = array<i32>} : memref<1024x1xf32, #tpu.memory_space<vmem>>, vector<1024x1xf32>,
    %get3A_14 = arith.constant 0 : index
    %get3A_15 = arith.constant 0 : index
    %get3A_16 = vector.load %arg2[%get3A_14, %get3A_15] : memref<1024x128xf32, #tpu.memory_space<vmem>>, vector<1024x128xf32>
    %mul3A = vector.broadcast %rsqrt3A : vector<1024x1xf32> to vector<1024x128xf32>
    %mul3A_17 = arith.mulf %get3A_16, %mul3A : vector<1024x128xf32>
    %swap3A_18 = arith.constant 0 : index
    %swap3A_19 = arith.constant 0 : index
    %swap3A_20 = vector.load %arg4[%swap3A_18, %swap3A_19] : memref<1024x128xf32, #tpu.memory_space<vmem>>, vector<1024x128xf32>
    tpu.vector_store %arg4[%swap3A_18, %swap3A_19], %mul3A_17 {strides = array<i32>} : memref<1024x128xf32, #tpu.memory_space<vmem>>, vector<1024x128xf32>,
    return
  }
  func.func @transform_0(%arg0: i32) -> (i32, i32, i32) {
    %c0_i32 = arith.constant 0 : i32
    %c0_i32_0 = arith.constant 0 : i32
    %c0_i32_1 = arith.constant 0 : i32
    return %c0_i32, %arg0, %c0_i32_0 : i32, i32, i32
  }
  func.func @transform_1(%arg0: i32) -> (i32, i32) {
    %c0_i32 = arith.constant 0 : i32
    %c0_i32_0 = arith.constant 0 : i32
    return %arg0, %c0_i32 : i32, i32
  }
  func.func @transform_2(%arg0: i32) -> (i32, i32) {
    %c0_i32 = arith.constant 0 : i32
    %c0_i32_0 = arith.constant 0 : i32
    return %arg0, %c0_i32 : i32, i32
  }
  func.func @transform_3(%arg0: i32) -> (i32, i32) {
    %c0_i32 = arith.constant 0 : i32
    %c0_i32_0 = arith.constant 0 : i32
    return %arg0, %c0_i32 : i32, i32
  }
}

module attributes {stable_mosaic.version = 14 : i64} {
  func.func @body(%arg0: i32, %arg1: memref<2x1024x128xf32, #tpu.memory_space<vmem>>, %arg2: memref<1024x128xf32, #tpu.memory_space<vmem>>, %arg3: memref<1024x1xf32, #tpu.memory_space<vmem>>, %arg4: memref<1x128xf32, #tpu.memory_space<vmem>>, %arg5: memref<1x1xf32, #tpu.memory_space<smem>>, %arg6: memref<1024x128xf32, #tpu.memory_space<vmem>>) attributes {dimension_semantics = [#tpu.dimension_semantics<arbitrary>], iteration_bounds = array<i64: 10>, scalar_prefetch = 0 : i64, scratch_operands = 0 : i64, tpu.core_type = #tpu.core_type<tc>, window_params = [{transform_indices = @transform_0, window_bounds = array<i64: 2, 1024, 128>}, {transform_indices = @transform_1, window_bounds = array<i64: 1024, 128>}, {transform_indices = @transform_2, window_bounds = array<i64: 1024, 1>}, {pipeline_mode = #tpu.pipeline_mode<synchronous>, transform_indices = @transform_3, window_bounds = array<i64: 1, 128>}, {transform_indices = @transform_4, window_bounds = array<i64: 1, 1>}, {transform_indices = @transform_5, window_bounds = array<i64: 1024, 128>}]} {
    %get3A = arith.constant 0 : index
    %get3A_0 = arith.constant 0 : index
    %get3A_1 = arith.constant 0 : index
    %get3A_2 = vector.load %arg1[%get3A, %get3A_0, %get3A_1] : memref<2x1024x128xf32, #tpu.memory_space<vmem>>, vector<1x1024x128xf32>
    %get3A_3 = vector.shape_cast %get3A_2 : vector<1x1024x128xf32> to vector<1024x128xf32>
    %get3A_4 = arith.constant 1 : index
    %get3A_5 = arith.constant 0 : index
    %get3A_6 = arith.constant 0 : index
    %get3A_7 = vector.load %arg1[%get3A_4, %get3A_5, %get3A_6] : memref<2x1024x128xf32, #tpu.memory_space<vmem>>, vector<1x1024x128xf32>
    %get3A_8 = vector.shape_cast %get3A_7 : vector<1x1024x128xf32> to vector<1024x128xf32>
    %add3A = arith.addf %get3A_3, %get3A_8 : vector<1024x128xf32>
    %get3A_9 = arith.constant 0 : index
    %get3A_10 = arith.constant 0 : index
    %get3A_11 = vector.load %arg2[%get3A_9, %get3A_10] : memref<1024x128xf32, #tpu.memory_space<vmem>>, vector<1024x128xf32>
    %add3A_12 = arith.addf %add3A, %get3A_11 : vector<1024x128xf32>
    %get3A_13 = arith.constant 0 : index
    %get3A_14 = arith.constant 0 : index
    %get3A_15 = vector.load %arg3[%get3A_13, %get3A_14] : memref<1024x1xf32, #tpu.memory_space<vmem>>, vector<1024x1xf32>
    %mul3A = vector.broadcast %get3A_15 : vector<1024x1xf32> to vector<1024x128xf32>
    %mul3A_16 = arith.mulf %add3A_12, %mul3A : vector<1024x128xf32>
    %get3A_17 = arith.constant 0 : index
    %get3A_18 = arith.constant 0 : index
    %get3A_19 = vector.load %arg4[%get3A_17, %get3A_18] : memref<1x128xf32, #tpu.memory_space<vmem>>, vector<1x128xf32>
    %add3A_20 = vector.broadcast %get3A_19 : vector<1x128xf32> to vector<1024x128xf32>
    %add3A_21 = arith.addf %mul3A_16, %add3A_20 : vector<1024x128xf32>
    %get3A_22 = arith.constant 0 : index
    %get3A_23 = arith.constant 0 : index
    %get3A_24 = memref.load %arg5[%get3A_22, %get3A_23] : memref<1x1xf32, #tpu.memory_space<smem>>
    %ge3A = arith.constant 0.000000e+00 : f32
    %ge3A_25 = vector.broadcast %ge3A : f32 to vector<1024x128xf32>
    %ge3A_26 = arith.cmpf oge, %add3A_21, %ge3A_25 : vector<1024x128xf32>
    %mul3A_27 = vector.broadcast %get3A_24 : f32 to vector<1024x128xf32>
    %mul3A_28 = arith.mulf %mul3A_27, %add3A_21 : vector<1024x128xf32>
    %select_n3A = arith.select %ge3A_26, %add3A_21, %mul3A_28 : vector<1024x128xi1>, vector<1024x128xf32>
    %swap3A = arith.constant 0 : index
    %swap3A_29 = arith.constant 0 : index
    %swap3A_30 = vector.load %arg6[%swap3A, %swap3A_29] : memref<1024x128xf32, #tpu.memory_space<vmem>>, vector<1024x128xf32>
    tpu.vector_store %arg6[%swap3A, %swap3A_29], %select_n3A {strides = array<i32>} : memref<1024x128xf32, #tpu.memory_space<vmem>>, vector<1024x128xf32>,
    return
  }
  func.func @transform_0(%arg0: i32) -> (i32, i32, i32) {
    %c0_i32 = arith.constant 0 : i32
    %c0_i32_0 = arith.constant 0 : i32
    %c0_i32_1 = arith.constant 0 : i32
    return %c0_i32, %arg0, %c0_i32_0 : i32, i32, i32
  }
  func.func @transform_1(%arg0: i32) -> (i32, i32) {
    %c0_i32 = arith.constant 0 : i32
    %c0_i32_0 = arith.constant 0 : i32
    return %arg0, %c0_i32 : i32, i32
  }
  func.func @transform_2(%arg0: i32) -> (i32, i32) {
    %c0_i32 = arith.constant 0 : i32
    %c0_i32_0 = arith.constant 0 : i32
    return %arg0, %c0_i32 : i32, i32
  }
  func.func @transform_3(%arg0: i32) -> (i32, i32) {
    %c0_i32 = arith.constant 0 : i32
    %c0_i32_0 = arith.constant 0 : i32
    %c0_i32_1 = arith.constant 0 : i32
    return %c0_i32, %c0_i32_0 : i32, i32
  }
  func.func @transform_4(%arg0: i32) -> (i32, i32) {
    %c0_i32 = arith.constant 0 : i32
    %c0_i32_0 = arith.constant 0 : i32
    %c0_i32_1 = arith.constant 0 : i32
    return %c0_i32, %c0_i32_0 : i32, i32
  }
  func.func @transform_5(%arg0: i32) -> (i32, i32) {
    %c0_i32 = arith.constant 0 : i32
    %c0_i32_0 = arith.constant 0 : i32
    return %arg0, %c0_i32 : i32, i32
  }
}

module attributes {stable_mosaic.version = 14 : i64} {
  func.func @body(%arg0: i32, %arg1: memref<2x1024x128xf32, #tpu.memory_space<vmem>>, %arg2: memref<1024x128xf32, #tpu.memory_space<vmem>>, %arg3: memref<1024x1xf32, #tpu.memory_space<vmem>>, %arg4: memref<128x512xf32, #tpu.memory_space<vmem>>, %arg5: memref<1x512xf32, #tpu.memory_space<vmem>>, %arg6: memref<512x128xf32, #tpu.memory_space<vmem>>, %arg7: memref<1x1xf32, #tpu.memory_space<smem>>, %arg8: memref<1024x128xf32, #tpu.memory_space<vmem>>) attributes {dimension_semantics = [#tpu.dimension_semantics<arbitrary>], iteration_bounds = array<i64: 10>, scalar_prefetch = 0 : i64, scratch_operands = 0 : i64, tpu.core_type = #tpu.core_type<tc>, window_params = [{transform_indices = @transform_0, window_bounds = array<i64: 2, 1024, 128>}, {transform_indices = @transform_1, window_bounds = array<i64: 1024, 128>}, {transform_indices = @transform_2, window_bounds = array<i64: 1024, 1>}, {pipeline_mode = #tpu.pipeline_mode<synchronous>, transform_indices = @transform_3, window_bounds = array<i64: 128, 512>}, {pipeline_mode = #tpu.pipeline_mode<synchronous>, transform_indices = @transform_4, window_bounds = array<i64: 1, 512>}, {pipeline_mode = #tpu.pipeline_mode<synchronous>, transform_indices = @transform_5, window_bounds = array<i64: 512, 128>}, {transform_indices = @transform_6, window_bounds = array<i64: 1, 1>}, {transform_indices = @transform_7, window_bounds = array<i64: 1024, 128>}]} {
    %get3A = arith.constant 0 : index
    %get3A_0 = arith.constant 0 : index
    %get3A_1 = vector.load %arg3[%get3A, %get3A_0] : memref<1024x1xf32, #tpu.memory_space<vmem>>, vector<1024x1xf32>
    %get3A_2 = arith.constant 0 : index
    %get3A_3 = arith.constant 0 : index
    %get3A_4 = arith.constant 0 : index
    %get3A_5 = vector.load %arg1[%get3A_2, %get3A_3, %get3A_4] : memref<2x1024x128xf32, #tpu.memory_space<vmem>>, vector<1x1024x128xf32>
    %get3A_6 = vector.shape_cast %get3A_5 : vector<1x1024x128xf32> to vector<1024x128xf32>
    %get3A_7 = arith.constant 1 : index
    %get3A_8 = arith.constant 0 : index
    %get3A_9 = arith.constant 0 : index
    %get3A_10 = vector.load %arg1[%get3A_7, %get3A_8, %get3A_9] : memref<2x1024x128xf32, #tpu.memory_space<vmem>>, vector<1x1024x128xf32>
    %get3A_11 = vector.shape_cast %get3A_10 : vector<1x1024x128xf32> to vector<1024x128xf32>
    %add3A = arith.addf %get3A_6, %get3A_11 : vector<1024x128xf32>
    %get3A_12 = arith.constant 0 : index
    %get3A_13 = arith.constant 0 : index
    %get3A_14 = vector.load %arg2[%get3A_12, %get3A_13] : memref<1024x128xf32, #tpu.memory_space<vmem>>, vector<1024x128xf32>
    %add3A_15 = arith.addf %add3A, %get3A_14 : vector<1024x128xf32>
    %mul3A = vector.broadcast %get3A_1 : vector<1024x1xf32> to vector<1024x128xf32>
    %mul3A_16 = arith.mulf %add3A_15, %mul3A : vector<1024x128xf32>
    %get3A_17 = arith.constant 0 : index
    %get3A_18 = arith.constant 0 : index
    %get3A_19 = vector.load %arg4[%get3A_17, %get3A_18] : memref<128x512xf32, #tpu.memory_space<vmem>>, vector<128x512xf32>
    %dot_general3A = arith.constant dense<0.000000e+00> : vector<1024x512xf32>
    %dot_general3A_20 = tpu.matmul %mul3A_16, %get3A_19, %dot_general3A {dimension_numbers = #tpu.dot_dimension_numbers<[1], [0], [0], [1], [0, 0, 1, 1], [], []>, transpose_lhs_hint = false} : vector<1024x128xf32>, vector<128x512xf32>, vector<1024x512xf32> -> vector<1024x512xf32>
    %get3A_21 = arith.constant 0 : index
    %get3A_22 = arith.constant 0 : index
    %get3A_23 = vector.load %arg5[%get3A_21, %get3A_22] : memref<1x512xf32, #tpu.memory_space<vmem>>, vector<1x512xf32>
    %add3A_24 = vector.broadcast %get3A_23 : vector<1x512xf32> to vector<1024x512xf32>
    %add3A_25 = arith.addf %dot_general3A_20, %add3A_24 : vector<1024x512xf32>
    %get3A_26 = arith.constant 0 : index
    %get3A_27 = arith.constant 0 : index
    %get3A_28 = memref.load %arg7[%get3A_26, %get3A_27] : memref<1x1xf32, #tpu.memory_space<smem>>
    %ge3A = arith.constant 0.000000e+00 : f32
    %ge3A_29 = vector.broadcast %ge3A : f32 to vector<1024x512xf32>
    %ge3A_30 = arith.cmpf oge, %add3A_25, %ge3A_29 : vector<1024x512xf32>
    %mul3A_31 = vector.broadcast %get3A_28 : f32 to vector<1024x512xf32>
    %mul3A_32 = arith.mulf %mul3A_31, %add3A_25 : vector<1024x512xf32>
    %select_n3A = arith.select %ge3A_30, %add3A_25, %mul3A_32 : vector<1024x512xi1>, vector<1024x512xf32>
    %get3A_33 = arith.constant 0 : index
    %get3A_34 = arith.constant 0 : index
    %get3A_35 = vector.load %arg6[%get3A_33, %get3A_34] : memref<512x128xf32, #tpu.memory_space<vmem>>, vector<512x128xf32>
    %dot_general3A_36 = arith.constant dense<0.000000e+00> : vector<1024x128xf32>
    %dot_general3A_37 = tpu.matmul %select_n3A, %get3A_35, %dot_general3A_36 {dimension_numbers = #tpu.dot_dimension_numbers<[1], [0], [0], [1], [0, 0, 1, 1], [], []>, transpose_lhs_hint = false} : vector<1024x512xf32>, vector<512x128xf32>, vector<1024x128xf32> -> vector<1024x128xf32>
    %mul3A_38 = vector.broadcast %get3A_1 : vector<1024x1xf32> to vector<1024x128xf32>
    %mul3A_39 = arith.mulf %dot_general3A_37, %mul3A_38 : vector<1024x128xf32>
    %swap3A = arith.constant 0 : index
    %swap3A_40 = arith.constant 0 : index
    %swap3A_41 = vector.load %arg8[%swap3A, %swap3A_40] : memref<1024x128xf32, #tpu.memory_space<vmem>>, vector<1024x128xf32>
    tpu.vector_store %arg8[%swap3A, %swap3A_40], %mul3A_39 {strides = array<i32>} : memref<1024x128xf32, #tpu.memory_space<vmem>>, vector<1024x128xf32>,
    return
  }
  func.func @transform_0(%arg0: i32) -> (i32, i32, i32) {
    %c0_i32 = arith.constant 0 : i32
    %c0_i32_0 = arith.constant 0 : i32
    %c0_i32_1 = arith.constant 0 : i32
    return %c0_i32, %arg0, %c0_i32_0 : i32, i32, i32
  }
  func.func @transform_1(%arg0: i32) -> (i32, i32) {
    %c0_i32 = arith.constant 0 : i32
    %c0_i32_0 = arith.constant 0 : i32
    return %arg0, %c0_i32 : i32, i32
  }
  func.func @transform_2(%arg0: i32) -> (i32, i32) {
    %c0_i32 = arith.constant 0 : i32
    %c0_i32_0 = arith.constant 0 : i32
    return %arg0, %c0_i32 : i32, i32
  }
  func.func @transform_3(%arg0: i32) -> (i32, i32) {
    %c0_i32 = arith.constant 0 : i32
    %c0_i32_0 = arith.constant 0 : i32
    %c0_i32_1 = arith.constant 0 : i32
    return %c0_i32, %c0_i32_0 : i32, i32
  }
  func.func @transform_4(%arg0: i32) -> (i32, i32) {
    %c0_i32 = arith.constant 0 : i32
    %c0_i32_0 = arith.constant 0 : i32
    %c0_i32_1 = arith.constant 0 : i32
    return %c0_i32, %c0_i32_0 : i32, i32
  }
  func.func @transform_5(%arg0: i32) -> (i32, i32) {
    %c0_i32 = arith.constant 0 : i32
    %c0_i32_0 = arith.constant 0 : i32
    %c0_i32_1 = arith.constant 0 : i32
    return %c0_i32, %c0_i32_0 : i32, i32
  }
  func.func @transform_6(%arg0: i32) -> (i32, i32) {
    %c0_i32 = arith.constant 0 : i32
    %c0_i32_0 = arith.constant 0 : i32
    %c0_i32_1 = arith.constant 0 : i32
    return %c0_i32, %c0_i32_0 : i32, i32
  }
  func.func @transform_7(%arg0: i32) -> (i32, i32) {
    %c0_i32 = arith.constant 0 : i32
    %c0_i32_0 = arith.constant 0 : i32
    return %arg0, %c0_i32 : i32, i32
  }
}

</mosaic_0001>

<sc_bundles>
// kernel: kernel.11.cloned.1.call-start
scs
__scs_entry_jumppad:
0x0: {  	(pc) =	sbr.rel $0x88, $3  }
0x1: {  	(tag) =	ssettag $0x0;
	lr =	simm.s32 $0x1  }
0x2: {  	[smem:$0x3F9A] =	sst lr;
	_ =	strace $0xD0000000  }
0x3: {  	_ = 	snop  }
0x4: {  	_ = 	snop  }
0x5: {  	_ = 	snop  }
0x6: {  	_ = 	snop  }
0x7: {  	_ = 	snop  }
__scs_overlays_trampoline_lowered:
0x8: {  	[smem:$0x3FA9] =	sst s0  }
0x9: {  	[smem:$0x3FAA] =	sst s1  }
0xa: {  	[smem:$0x3FAB] =	sst s2  }
0xb: {  	[smem:$0x3FAC] =	sst s3  }
0xc: {  	[smem:$0x3FAD] =	sst s4  }
0xd: {  	[smem:$0x3FAE] =	sst s5  }
0xe: {  	[smem:$0x3FAF] =	sst s6  }
0xf: {  	[smem:$0x3FB0] =	sst s7  }
0x10: {  	[smem:$0x3FB1] =	sst s8  }
0x11: {  	[smem:$0x3FB2] =	sst s9;
	s0 =	simm.s32 @!p0 $0x0  }
0x12: {  	s1 =	sld [smem:$0x3F98];
	s0 =	simm.s32 @p0 $0x1  }
0x13: {  	[smem:$0x3FB3] =	sst s0;
	s0 =	simm.s32 @!p1 $0x0  }
0x14: {  	s2 =	sld [smem:$0x3F97];
	s0 =	simm.s32 @p1 $0x1  }
0x15: {  	[smem:$0x3FB4] =	sst s0;
	s0 =	simm.s32 @!p2 $0x0  }
0x16: {  	s3 =	sld [smem:$0x3FDB];
	s0 =	simm.s32 @p2 $0x1  }
0x17: {  	s4 =	simm.s32 $0x1BF5;
	[smem:$0x3FB6] =	sst s0  }
0x18: {  	s0 =	sld [smem:$0x3F99];
	_ =	swait.ge [sflag:s4], $0x0  }
0x19: {  	s7 =	sld [smem:$0x3F9A]  }
0x1a: {  	s8 =	sadd.s32 $0xFFFFE003, lr  }
0x1b: {  	s9 =	sadd.s32 $0xFFFFFEF7, lr;
	s5 =	simm.s32 $0xFFFFFFFF;
	p2 =	slt.u32 s8, $0xFFFFF086  }
0x1c: {  	p1 =	slt.u32 s9, $0xF7A;
	s5 =	simm.s32 @!p2 $0x0  }
0x1d: {  	s5 =	simm.s32 @p1 $0x1;
	p0 =	seq.s32 s7, s2  }
0x1e: {  	s7 =	smul.u32 @!p0 $0xF7A, s2;
	p2 =	seq.s32 @!p0 s5, $0x0  }
0x1f: {  	s9 =	smul.u32 $0xF7A, s1;
	s8 =	simm.s32 @!p0 $0x1BF5;
	p2 =	por !p2, p0  }
0x20: {  	[sflag:s8] =	ssyncset.s32 @!p0 $0xFFFFF086;
	s6 =	sadd.s32 @!p0 s3, s7;
	s7 =	simm.s32 @!p0 $0x108  }
0x21: {  	s3 =	sadd.s32 s3, s9;
	s6 =	sadd.s32 @!p0 $0x88, s6;
	s7 =	simm.s32 @p2 $0x1082  }
0x22: {  	[simem:s7], [sflag:s8] =	dma.local @!p0 [hbm:s6], $0xF7A  }
0x23: {  	s9 =	sor.u32 $0xD0000000, s2;
	s6 =	simm.s32 $0x108;
	_ =	swait.ge @!p0 [sflag:s8], $0x0  }
0x24: {  	s3 =	sadd.s32 $0x88, s3;
	s6 =	simm.s32 @!p1 $0x1082;
	[sflag:s4] =	ssyncset.s32 $0xFFFFF086  }
0x25: {  	[simem:s6], [sflag:s4] =	dma.local [hbm:s3], $0xF7A  }
0x26: {  	[smem:$0x3F9A] =	sst s1;
	(tag) =	ssettag s2;
	_ =	strace s9  }
0x27: {  	s1 =	sld [smem:$0x3FAA]  }
0x28: {  	s2 =	sld [smem:$0x3FAB]  }
0x29: {  	s4 =	sld [smem:$0x3FAD]  }
0x2a: {  	p0 =	seq.s32 s5, $0x0;
	s5 =	sld [smem:$0x3FAE]  }
0x2b: {  	s6 =	sld [smem:$0x3FAF]  }
0x2c: {  	s7 =	sld [smem:$0x3FB0]  }
0x2d: {  	s3 =	simm.s32 $0x108;
	s8 =	sld [smem:$0x3FB1]  }
0x2e: {  	s3 =	simm.s32 @!p0 $0x1082;
	s9 =	sld [smem:$0x3FB2]  }
0x2f: {  	lr =	sadd.s32 s0, s3;
	s0 =	sld [smem:$0x3FA9]  }
0x30: {  	s3 =	sld [smem:$0x3FAC]  }
0x31: {  	[smem:$0x3FB5] =	sst s10  }
0x32: {  	s10 =	sld [smem:$0x3FB3];
	_ =	sdelay $0x3  }
0x33: {  	p0 =	seq.s32 s10, $0x1;
	s10 =	sld [smem:$0x3FB5];
	_ =	sdelay $0x3  }
0x34: {  	[smem:$0x3FB5] =	sst s10  }
0x35: {  	s10 =	sld [smem:$0x3FB4];
	_ =	sdelay $0x3  }
0x36: {  	p1 =	seq.s32 s10, $0x1;
	s10 =	sld [smem:$0x3FB5];
	_ =	sdelay $0x3  }
0x37: {  	[smem:$0x3FB5] =	sst s10  }
0x38: {  	s10 =	sld [smem:$0x3FB6]  }
0x39: {  	_ = 	snop;
	(pc) =	sbr.ind lr, $3  }
0x3a: {  	_ = 	snop  }
0x3b: {  	_ = 	snop  }
0x3c: {  	p2 =	seq.s32 s10, $0x1;
	s10 =	sld [smem:$0x3FB5]  }
0x3d: {  	_ =	shalt  }
0x3e: {  	_ =	shalt  }
0x3f: {  	_ =	shalt  }
0x40: {  	_ =	shalt  }
0x41: {  	_ =	shalt  }
0x42: {  	_ =	shalt  }
0x43: {  	_ =	shalt  }
0x44: {  	_ =	shalt  }
0x45: {  	_ =	shalt  }
0x46: {  	_ =	shalt  }
0x47: {  	_ =	shalt  }
0x48: {  	_ =	shalt  }
0x49: {  	_ =	shalt  }
0x4a: {  	_ =	shalt  }
0x4b: {  	_ =	shalt  }
0x4c: {  	_ =	shalt  }
0x4d: {  	_ =	shalt  }
0x4e: {  	_ =	shalt  }
0x4f: {  	_ =	shalt  }
0x50: {  	_ =	shalt  }
0x51: {  	_ =	shalt  }
0x52: {  	_ =	shalt  }
0x53: {  	_ =	shalt  }
0x54: {  	_ =	shalt  }
0x55: {  	_ =	shalt  }
0x56: {  	_ =	shalt  }
0x57: {  	_ =	shalt  }
0x58: {  	_ =	shalt  }
0x59: {  	_ =	shalt  }
0x5a: {  	_ =	shalt  }
0x5b: {  	_ =	shalt  }
0x5c: {  	_ =	shalt  }
0x5d: {  	_ =	shalt  }
0x5e: {  	_ =	shalt  }
0x5f: {  	_ =	shalt  }
0x60: {  	_ =	shalt  }
0x61: {  	_ =	shalt  }
0x62: {  	_ =	shalt  }
0x63: {  	_ =	shalt  }
0x64: {  	_ =	shalt  }
0x65: {  	_ =	shalt  }
0x66: {  	_ =	shalt  }
0x67: {  	_ =	shalt  }
0x68: {  	_ =	shalt  }
0x69: {  	_ =	shalt  }
0x6a: {  	_ =	shalt  }
0x6b: {  	_ =	shalt  }
0x6c: {  	_ =	shalt  }
0x6d: {  	_ =	shalt  }
0x6e: {  	_ =	shalt  }
0x6f: {  	_ =	shalt  }
0x70: {  	_ =	shalt  }
0x71: {  	_ =	shalt  }
0x72: {  	_ =	shalt  }
0x73: {  	_ =	shalt  }
0x74: {  	_ =	shalt  }
0x75: {  	_ =	shalt  }
0x76: {  	_ =	shalt  }
0x77: {  	_ =	shalt  }
0x78: {  	_ =	shalt  }
0x79: {  	_ =	shalt  }
0x7a: {  	_ =	shalt  }
0x7b: {  	_ =	shalt  }
0x7c: {  	_ =	shalt  }
0x7d: {  	_ =	shalt  }
0x7e: {  	_ =	shalt  }
0x7f: {  	_ =	shalt  }
0x80: {  	_ =	shalt  }
0x81: {  	_ =	shalt  }
0x82: {  	_ =	shalt  }
0x83: {  	_ =	shalt  }
0x84: {  	_ =	shalt  }
0x85: {  	_ =	shalt  }
0x86: {  	_ =	shalt  }
0x87: {  	_ =	shalt  }
.Lfunc_end0:
.L_simem_size_0:
called_computation.1_lowered:
.L_overlay_start_0:
0x88: {  	s2 =	sld [smem:$0x3FD9]  }
0x89: {  	s3 =	sld [smem:$0x3FFE];
	_ =	sdelay $0x1  }
0x8a: {  	s1 =	srdreg.scid  }
0x8b: {  	s0 =	sand.u32 $0x1, s1  }
0x8c: {  	s17 =	sshll.u32 s0, $0xA;
	s2 =	sadd.s32 s3, s2  }
0x8d: {  	s2 =	sadd.s32 s2, s17  }
0x8e: {  	[smem:$0x3FC1] =	sst s2  }
0x8f: {  	_ = 	snop  }
0x90: {  	s2 =	sld [smem:$0x3FD0];
	(tm) =	ssettm $0x1  }
0x91: {  	s18 =	sld [smem:$0x3FFB];
	_ =	sdelay $0x3  }
0x92: {  	_ =	strace s18  }
0x93: {  	s3 =	sld [smem:$0x3FFC];
	_ =	sdelay $0x3  }
0x94: {  	_ =	strace s3  }
0x95: {  	s3 =	sld [smem:$0x3FFD];
	_ =	sdelay $0x3  }
0x96: {  	_ =	strace s3  }
0x97: {  	_ =	strace $0x8FFFFFFF  }
0x98: {  	s19 =	sld [smem:$0x3FDB];
	_ =	sdelay $0x1  }
0x99: {  	s4 =	simm.s32 $_scs_section_size  }
0x9a: {  	s5 =	simm.s32 $_size__tile_overlayer_lowered;
	s6 =	simm.s32 $_tile_overlayer_lowered  }
0x9b: {  	s22 =	simm.s32 $0x1BFF;
	s21 =	sshll.u32 s6, $0x1;
	s3 =	sadd.s32 s4, s19  }
0x9c: {  	s7 =	simm.s32 $0x0;
	s20 =	sshll.u32 s5, $0x1;
	s5 =	sadd.s32 s21, s3  }
0x9d: {  	[timem:s7], [sflag:s22] =	dma.local [hbm:s5], s20  }
0x9e: {  	_ =	swait.ge [sflag:s22], s20  }
0x9f: {  	s4 =	ssub.s32 $0x0, s20;
	[sflag:s22] =	ssyncset.done $0x0  }
0xa0: {  	[sflag:s22] =	ssyncadd.s32 s4;
	_ =	sdelay $0x1  }
0xa1: {  	s23 =	simm.s32 $0x1B8B  }
0xa2: {  	_ =	swait.ge [sflag:s23], $0x1  }
0xa3: {  	[sflag:s23] =	ssyncset.done $0x0  }
0xa4: {  	s25 =	simm.s32 $0x1B8E;
	s24 =	sld [smem:$0x3FFE];
	[sflag:s23] =	ssyncadd.s32 $0xFFFFFFFF  }
0xa5: {  	s26 =	simm.s32 $execute0_lowered;
	[smem:$0x3FD2] =	sst s25  }
0xa6: {  	s5 =	sshll.u32 s26, $0x1;
	_ =	strace $0x80000049;
	[dreg:$0x1] =	wrdreg $0xFFFFFFFF  }
0xa7: {  	s28 =	simm.s32 $_size_execute0_lowered;
	s3 =	sadd.s32 s3, s5;
	[dreg:$0x0] =	wrdreg $0x0  }
0xa8: {  	s5 =	sshll.u32 s28, $0x1;
	[dreg:$0x2] =	wrdreg s3  }
0xa9: {  	[dreg:$0x3] =	wrdreg s5  }
0xaa: {  	[dreg:$0x4] =	wrdreg $0xC0  }
0xab: {  	_ =	task [dreg:s7], $0x5FFFF  }
0xac: {  	[dreg:$0x1] =	wrdreg $0xFFFFFFFF  }
0xad: {  	[dreg:$0x0] =	wrdreg $0x60  }
0xae: {  	[dreg:$0x2] =	wrdreg s24  }
0xaf: {  	[dreg:$0x3] =	wrdreg s2  }
0xb0: {  	[dreg:$0x4] =	wrdreg $0x90000  }
0xb1: {  	[dreg:$0x5] =	wrdreg $0x9  }
0xb2: {  	_ =	task.clear_ibuf [dreg:s7], $0x6FFFF;
	_ =	strace $0x90000049  }
0xb3: {  	s29 =	simm.s32 $0x9;
	_ =	strace $0x8000004B  }
0xb4: {  	_ =	swait.ge [sflag:s29], $0x1  }
0xb5: {  	[sflag:s29] =	ssyncadd.s32 $0xFFFFFFFF  }
0xb6: {  	_ =	strace $0x9000004B  }
0xb7: {  	_ =	sfence  }
0xb8: {  	s30 =	sld [smem:$0x0];
	_ =	sdelay $0x2  }
0xb9: {  	s31 =	sshll.u32 s1, $0xD;
	s1 =	sshrl.u32 s1, $0x2  }
0xba: {  	s3 =	sand.u32 $0x4000, s31;
	s1 =	sadd.s32 s1, s30  }
0xbb: {  	s0 =	sor.u32 s3, s0;
	s1 =	sshll.u32 s1, $0x11  }
0xbc: {  	s0 =	sor.u32 s1, s0  }
0xbd: {  	s0 =	sadd.s32 $0x8F2B, s0  }
0xbe: {  	[sflag:s0] =	ssyncadd.remote.s32 $0x1  }
0xbf: {  	_ =	sfence.sel $0xFFFF  }
0xc0: {  	[dreg:$0x0] =	wrdreg $0xFFFFFFFF;
	(pc) =	sbr.abs _section_cstart, $3  }
0xc1: {  	[dreg:$0x1] =	wrdreg $0xFFFFFFFF  }
0xc2: {  	_ =	task.clear_ibuf [dreg:s7], $0x2FFFF;
	_ =	strace $0x9FFFFFFF  }
0xc3: {  	(tm) =	ssettm $0x7FFFFFFF  }
tec
execute0_lowered:
.L_overlay_start_1:
0x0: {  	(tag) =	ssettag $0x1  }
0x1: {  	s1 =	srdreg.scid;
	s6 =	rddreg [dreg:$0x0]  }
0x2: {  	s0 =	stileid.u32;
	s8 =	rddreg [dreg:$0x1]  }
0x3: {  	s2 =	rddreg [dreg:$0x2];
	s3 =	simm.s32 $0x0;
	s14 =	simm.s32 $0x80  }
0x4: {  	s15 =	simm.s32 $0x5000;
	s16 =	simm.s32 $0x1;
	s17 =	simm.s32 $0x0  }
0x5: {  	s7 =	sand.u32 $0x1, s1;
	s29 =	sshll.u32 s0, $0x1;
	s10 =	smul.u32 $0x14000, s0  }
0x6: {  	[smem:$0x7FF] =	sst s3;
	s4 =	sadd.s32 $0xC600, s6;
	s12 =	smul.u32 $0x50000, s0  }
0x7: {  	s31 =	sshll.u32 s0, $0x6;
	s1 =	sor.u32 s7, s29;
	s5 =	smul.u32 $0x140000, s7  }
0x8: {  	s7 =	ssub.s32 $0x2, s7;
	s9 =	smul.u32 $0x500, s1;
	s1 =	rddreg [dreg:$0x3]  }
0x9: {  	_ =	strace $0x8000004A;
	s30 =	sshrl.u32 s7, $0x1;
	s12 =	sshrl.u32 s12, $0x2  }
0xa: {  	s10 =	sadd.s32 s10, s5;
	s5 =	sadd.s32 $0x34600, s6;
	s13 =	ssub.s32 s7, s30  }
0xb: {  	s12 =	sadd.s32 s12, s2;
	s11 =	sadd.s32 s9, s6;
	s10 =	sshrl.u32 s10, $0x3  }
0xc: {  	s7 =	sadd.s32 s8, s9;
	s10 =	sadd.s32 s10, s6;
	s6 =	sor.u32 $0x1C02, s31  }
0xd: {  	s8 =	sadd.s32 $0x2600, s11;
	s11 =	sshrl.u32 s12, $0x3;
	s12 =	simm.s32 $0x2  }
0xe: {  	s9 =	sadd.s32 $0x36E00, s10;
	s10 =	smax.u32 s13, $0x1;
	s13 =	simm.s32 $0x2800  }
.LBB2_1:
0xf: {  	[spmem:s11], [sflag:s6] =	dma.local [hbm:s5], $0x2800  }
0x10: {  	_ =	swait.ge [sflag:s12], $0x2800  }
0x11: {  	[sflag:s12] =	ssyncset.done $0x0  }
0x12: {  	[sflag:s12] =	ssyncadd.s32 $0xFFFFD800  }
0x13: {  	[tilespmem:s3], [sflag:$0x2] =	stream.linear.gather [hbm4b:s7+s3], $0x2800, $0x38;
	[tilespmem:$0x1D000] =	vst v63  }
0x14: {  	_ =	swait.ge [sflag:s12], $0x2800  }
0x15: {  	[sflag:s12] =	ssyncset.done $0x0  }
0x16: {  	[sflag:s12] =	ssyncadd.s32 $0xFFFFD800  }
0x17: {  	[tilespmem:s13], [sflag:$0x2] =	stream.linear.gather [hbm4b:s8+s3], $0x2800, $0x38;
	[tilespmem:$0x1D000] =	vst v63  }
0x18: {  	_ =	swait.ge [sflag:s12], $0x2800  }
0x19: {  	[sflag:s12] =	ssyncset.done $0x0  }
0x1a: {  	[sflag:s12] =	ssyncadd.s32 $0xFFFFD800  }
0x1b: {  	s18 =	simm.s32 $0x0;
	[bflag:$0x0] =	sbarrier.arrive $0xFFFF  }
0x1c: {  	[tilespmem:s15], [sflag:$0x1] =	stream.indirect.gather [hbm4b:s4+s14], $0x80, s18, s14, $0xb8;
	[tilespmem:$0x1D000] =	vst v63  }
0x1d: {  	_ =	swait.ge [sflag:s16], $0x4000  }
0x1e: {  	[sflag:s16] =	ssyncset.done $0x0  }
0x1f: {  	s31 =	simm.s32 $0x2800;
	[sflag:s16] =	ssyncadd.s32 $0xFFFFC000  }
0x20: {  	[spmem:s2] =	stream.indirect.scatter.add.f32 [tilespmem:s15], [sflag:$0x2], $0x80, s31, s14, $0xb8;
	[tilespmem:$0x1D000] =	vst v63  }
0x21: {  	_ =	swait.ge [sflag:s12], $0x4000  }
0x22: {  	s19 =	simm.s32 $0x400;
	s18 =	simm.s32 $0x200;
	[sflag:s12] =	ssyncset.done $0x0  }
.LBB2_2:
0x23: {  	s20 =	sshra.s32 s18, $0x2  }
0x24: {  	[sflag:s12] =	ssyncadd.s32 $0xFFFFC000;
	s18 =	smov.u32 s19;
	s21 =	sadd.s32 $0x200, s19  }
0x25: {  	[tilespmem:s15], [sflag:$0x1] =	stream.indirect.gather [hbm4b:s4+s14], $0x80, s20, s14, $0xb8;
	[tilespmem:$0x1D000] =	vst v63  }
0x26: {  	p0 =	sne.s32 s19, $0x9E00;
	_ =	swait.ge [sflag:s16], $0x4000  }
.Ltmp0:
0x27: {  	[sflag:s16] =	ssyncset.done $0x0;
	(pc) =	sbr.rel @p0 .LBB2_2-.Ltmp0, $4  }
0x28: {  	s19 =	sadd.s32 $0x2800, s20;
	[sflag:s16] =	ssyncadd.s32 $0xFFFFC000  }
0x29: {  	[spmem:s2] =	stream.indirect.scatter.add.f32 [tilespmem:s15], [sflag:$0x2], $0x80, s19, s14, $0xb8;
	[tilespmem:$0x1D000] =	vst v63  }
0x2a: {  	_ =	swait.ge [sflag:s12], $0x4000  }
0x2b: {  	s19 =	smov.u32 s21;
	[sflag:s12] =	ssyncset.done $0x0  }
0x2c: {  	s18 =	sshra.s32 s18, $0x2;
	[sflag:s12] =	ssyncadd.s32 $0xFFFFC000  }
0x2d: {  	[tilespmem:s15], [sflag:$0x1] =	stream.indirect.gather [hbm4b:s4+s14], $0x80, s18, s14, $0xb8;
	[tilespmem:$0x1D000] =	vst v63  }
0x2e: {  	_ =	swait.ge [sflag:s16], $0x4000  }
0x2f: {  	[sflag:s16] =	ssyncset.done $0x0  }
0x30: {  	s18 =	sadd.s32 $0x2800, s18;
	[sflag:s16] =	ssyncadd.s32 $0xFFFFC000  }
0x31: {  	[spmem:s2] =	stream.indirect.scatter.add.f32 [tilespmem:s15], [sflag:$0x2], $0x80, s18, s14, $0xb8;
	[tilespmem:$0x1D000] =	vst v63  }
0x32: {  	_ =	swait.ge [sflag:s12], $0x4000  }
0x33: {  	s17 =	sadd.s32 $0x1, s17;
	[sflag:s12] =	ssyncset.done $0x0  }
0x34: {  	p0 =	sne.s32 s17, s10;
	[sflag:s12] =	ssyncadd.s32 $0xFFFFC000  }
.Ltmp1:
0x35: {  	[bflag:$0x0] =	sbarrier.arrive $0xFFFF;
	(pc) =	sbr.rel @p0 .LBB2_1-.Ltmp1, $4  }
0x36: {  	[hbm:s9], [sflag:s6] =	dma.local [spmem:s11], $0x2800  }
0x37: {  	_ =	swait.ge [sflag:s12], $0x2800  }
0x38: {  	[sflag:s12] =	ssyncset.done $0x0  }
0x39: {  	[sflag:s12] =	ssyncadd.s32 $0xFFFFD800  }
0x3a: {  	_ =	sfence.sel $0x180000  }
0x3b: {  	[bflag:$0x0] =	sbarrier.arrive $0xFFFF  }
0x3c: {  	p0 =	sne.s32 s0, $0x0;
	_ =	strace $0x9000004A  }
0x3d: {  	s0 =	sadd.s32 @!p0 $0x100000, s1;
	[bflag:$0x2] =	sbarrier.arrive $0xFFFF  }
0x3e: {  	[sflag:s0] =	ssyncadd.tile.s32 @!p0 $0x1;
	_ =	shalt  }
.Lfunc_end2:
_tile_overlayer_lowered:
.L_overlay_start_2:
0x3f: {  	(tag) =	ssettag $0x2  }
0x40: {  	s0 =	rddreg [dreg:$0x0];
	s2 =	stileid.u32  }
0x41: {  	s1 =	rddreg [dreg:$0x1];
	p0 =	sne.s32 s2, $0x0  }
0x42: {  	s3 =	rddreg [dreg:$0x2];
	[bflag:$0x3] =	sbarrier.arrive $0xFFFF;
	s2 =	simm.s32 @!p0 $0x1C02  }
0x43: {  	[timem:s3], [sflag:s2] =	dma.local @!p0 [hbm:s0], s1  }
0x44: {  	s0 =	simm.s32 @!p0 $0x2  }
0x45: {  	_ =	swait.ge @!p0 [sflag:s0], s1  }
0x46: {  	s1 =	ssub.s32 @!p0 $0x0, s1;
	[sflag:s0] =	ssyncset.done @!p0 $0x0  }
0x47: {  	[sflag:s0] =	ssyncadd.s32 @!p0 s1  }
0x48: {  	[bflag:$0x3] =	sbarrier.arrive $0xFFFF  }
0x49: {  	_ =	shalt  }

// kernel: kernel.14.cloned.1.call-start
scs
__scs_entry_jumppad:
0x0: {  	(pc) =	sbr.rel $0x88, $3  }
0x1: {  	(tag) =	ssettag $0x0;
	lr =	simm.s32 $0x1  }
0x2: {  	[smem:$0x3F9A] =	sst lr;
	_ =	strace $0xD0000000  }
0x3: {  	_ = 	snop  }
0x4: {  	_ = 	snop  }
0x5: {  	_ = 	snop  }
0x6: {  	_ = 	snop  }
0x7: {  	_ = 	snop  }
__scs_overlays_trampoline_lowered:
0x8: {  	[smem:$0x3FA9] =	sst s0  }
0x9: {  	[smem:$0x3FAA] =	sst s1  }
0xa: {  	[smem:$0x3FAB] =	sst s2  }
0xb: {  	[smem:$0x3FAC] =	sst s3  }
0xc: {  	[smem:$0x3FAD] =	sst s4  }
0xd: {  	[smem:$0x3FAE] =	sst s5  }
0xe: {  	[smem:$0x3FAF] =	sst s6  }
0xf: {  	[smem:$0x3FB0] =	sst s7  }
0x10: {  	[smem:$0x3FB1] =	sst s8  }
0x11: {  	[smem:$0x3FB2] =	sst s9;
	s0 =	simm.s32 @!p0 $0x0  }
0x12: {  	s1 =	sld [smem:$0x3F98];
	s0 =	simm.s32 @p0 $0x1  }
0x13: {  	[smem:$0x3FB3] =	sst s0;
	s0 =	simm.s32 @!p1 $0x0  }
0x14: {  	s2 =	sld [smem:$0x3F97];
	s0 =	simm.s32 @p1 $0x1  }
0x15: {  	[smem:$0x3FB4] =	sst s0;
	s0 =	simm.s32 @!p2 $0x0  }
0x16: {  	s3 =	sld [smem:$0x3FDB];
	s0 =	simm.s32 @p2 $0x1  }
0x17: {  	s4 =	simm.s32 $0x1BF5;
	[smem:$0x3FB6] =	sst s0  }
0x18: {  	s0 =	sld [smem:$0x3F99];
	_ =	swait.ge [sflag:s4], $0x0  }
0x19: {  	s7 =	sld [smem:$0x3F9A]  }
0x1a: {  	s8 =	sadd.s32 $0xFFFFE003, lr  }
0x1b: {  	s9 =	sadd.s32 $0xFFFFFEF7, lr;
	s5 =	simm.s32 $0xFFFFFFFF;
	p2 =	slt.u32 s8, $0xFFFFF086  }
0x1c: {  	p1 =	slt.u32 s9, $0xF7A;
	s5 =	simm.s32 @!p2 $0x0  }
0x1d: {  	s5 =	simm.s32 @p1 $0x1;
	p0 =	seq.s32 s7, s2  }
0x1e: {  	s7 =	smul.u32 @!p0 $0xF7A, s2;
	p2 =	seq.s32 @!p0 s5, $0x0  }
0x1f: {  	s9 =	smul.u32 $0xF7A, s1;
	s8 =	simm.s32 @!p0 $0x1BF5;
	p2 =	por !p2, p0  }
0x20: {  	[sflag:s8] =	ssyncset.s32 @!p0 $0xFFFFF086;
	s6 =	sadd.s32 @!p0 s3, s7;
	s7 =	simm.s32 @!p0 $0x108  }
0x21: {  	s3 =	sadd.s32 s3, s9;
	s6 =	sadd.s32 @!p0 $0x88, s6;
	s7 =	simm.s32 @p2 $0x1082  }
0x22: {  	[simem:s7], [sflag:s8] =	dma.local @!p0 [hbm:s6], $0xF7A  }
0x23: {  	s9 =	sor.u32 $0xD0000000, s2;
	s6 =	simm.s32 $0x108;
	_ =	swait.ge @!p0 [sflag:s8], $0x0  }
0x24: {  	s3 =	sadd.s32 $0x88, s3;
	s6 =	simm.s32 @!p1 $0x1082;
	[sflag:s4] =	ssyncset.s32 $0xFFFFF086  }
0x25: {  	[simem:s6], [sflag:s4] =	dma.local [hbm:s3], $0xF7A  }
0x26: {  	[smem:$0x3F9A] =	sst s1;
	(tag) =	ssettag s2;
	_ =	strace s9  }
0x27: {  	s1 =	sld [smem:$0x3FAA]  }
0x28: {  	s2 =	sld [smem:$0x3FAB]  }
0x29: {  	s4 =	sld [smem:$0x3FAD]  }
0x2a: {  	p0 =	seq.s32 s5, $0x0;
	s5 =	sld [smem:$0x3FAE]  }
0x2b: {  	s6 =	sld [smem:$0x3FAF]  }
0x2c: {  	s7 =	sld [smem:$0x3FB0]  }
0x2d: {  	s3 =	simm.s32 $0x108;
	s8 =	sld [smem:$0x3FB1]  }
0x2e: {  	s3 =	simm.s32 @!p0 $0x1082;
	s9 =	sld [smem:$0x3FB2]  }
0x2f: {  	lr =	sadd.s32 s0, s3;
	s0 =	sld [smem:$0x3FA9]  }
0x30: {  	s3 =	sld [smem:$0x3FAC]  }
0x31: {  	[smem:$0x3FB5] =	sst s10  }
0x32: {  	s10 =	sld [smem:$0x3FB3];
	_ =	sdelay $0x3  }
0x33: {  	p0 =	seq.s32 s10, $0x1;
	s10 =	sld [smem:$0x3FB5];
	_ =	sdelay $0x3  }
0x34: {  	[smem:$0x3FB5] =	sst s10  }
0x35: {  	s10 =	sld [smem:$0x3FB4];
	_ =	sdelay $0x3  }
0x36: {  	p1 =	seq.s32 s10, $0x1;
	s10 =	sld [smem:$0x3FB5];
	_ =	sdelay $0x3  }
0x37: {  	[smem:$0x3FB5] =	sst s10  }
0x38: {  	s10 =	sld [smem:$0x3FB6]  }
0x39: {  	_ = 	snop;
	(pc) =	sbr.ind lr, $3  }
0x3a: {  	_ = 	snop  }
0x3b: {  	_ = 	snop  }
0x3c: {  	p2 =	seq.s32 s10, $0x1;
	s10 =	sld [smem:$0x3FB5]  }
0x3d: {  	_ =	shalt  }
0x3e: {  	_ =	shalt  }
0x3f: {  	_ =	shalt  }
0x40: {  	_ =	shalt  }
0x41: {  	_ =	shalt  }
0x42: {  	_ =	shalt  }
0x43: {  	_ =	shalt  }
0x44: {  	_ =	shalt  }
0x45: {  	_ =	shalt  }
0x46: {  	_ =	shalt  }
0x47: {  	_ =	shalt  }
0x48: {  	_ =	shalt  }
0x49: {  	_ =	shalt  }
0x4a: {  	_ =	shalt  }
0x4b: {  	_ =	shalt  }
0x4c: {  	_ =	shalt  }
0x4d: {  	_ =	shalt  }
0x4e: {  	_ =	shalt  }
0x4f: {  	_ =	shalt  }
0x50: {  	_ =	shalt  }
0x51: {  	_ =	shalt  }
0x52: {  	_ =	shalt  }
0x53: {  	_ =	shalt  }
0x54: {  	_ =	shalt  }
0x55: {  	_ =	shalt  }
0x56: {  	_ =	shalt  }
0x57: {  	_ =	shalt  }
0x58: {  	_ =	shalt  }
0x59: {  	_ =	shalt  }
0x5a: {  	_ =	shalt  }
0x5b: {  	_ =	shalt  }
0x5c: {  	_ =	shalt  }
0x5d: {  	_ =	shalt  }
0x5e: {  	_ =	shalt  }
0x5f: {  	_ =	shalt  }
0x60: {  	_ =	shalt  }
0x61: {  	_ =	shalt  }
0x62: {  	_ =	shalt  }
0x63: {  	_ =	shalt  }
0x64: {  	_ =	shalt  }
0x65: {  	_ =	shalt  }
0x66: {  	_ =	shalt  }
0x67: {  	_ =	shalt  }
0x68: {  	_ =	shalt  }
0x69: {  	_ =	shalt  }
0x6a: {  	_ =	shalt  }
0x6b: {  	_ =	shalt  }
0x6c: {  	_ =	shalt  }
0x6d: {  	_ =	shalt  }
0x6e: {  	_ =	shalt  }
0x6f: {  	_ =	shalt  }
0x70: {  	_ =	shalt  }
0x71: {  	_ =	shalt  }
0x72: {  	_ =	shalt  }
0x73: {  	_ =	shalt  }
0x74: {  	_ =	shalt  }
0x75: {  	_ =	shalt  }
0x76: {  	_ =	shalt  }
0x77: {  	_ =	shalt  }
0x78: {  	_ =	shalt  }
0x79: {  	_ =	shalt  }
0x7a: {  	_ =	shalt  }
0x7b: {  	_ =	shalt  }
0x7c: {  	_ =	shalt  }
0x7d: {  	_ =	shalt  }
0x7e: {  	_ =	shalt  }
0x7f: {  	_ =	shalt  }
0x80: {  	_ =	shalt  }
0x81: {  	_ =	shalt  }
0x82: {  	_ =	shalt  }
0x83: {  	_ =	shalt  }
0x84: {  	_ =	shalt  }
0x85: {  	_ =	shalt  }
0x86: {  	_ =	shalt  }
0x87: {  	_ =	shalt  }
.Lfunc_end0:
.L_simem_size_0:
called_computation.2_lowered:
.L_overlay_start_0:
0x88: {  	s2 =	sld [smem:$0x3FD9]  }
0x89: {  	s3 =	sld [smem:$0x3FFE];
	_ =	sdelay $0x1  }
0x8a: {  	s1 =	srdreg.scid  }
0x8b: {  	s0 =	sand.u32 $0x1, s1  }
0x8c: {  	s17 =	sshll.u32 s0, $0xA;
	s2 =	sadd.s32 s3, s2  }
0x8d: {  	s2 =	sadd.s32 s2, s17  }
0x8e: {  	[smem:$0x3FC1] =	sst s2  }
0x8f: {  	_ = 	snop  }
0x90: {  	s2 =	sld [smem:$0x3FD0];
	(tm) =	ssettm $0x1  }
0x91: {  	s18 =	sld [smem:$0x3FFB];
	_ =	sdelay $0x3  }
0x92: {  	_ =	strace s18  }
0x93: {  	s3 =	sld [smem:$0x3FFC];
	_ =	sdelay $0x3  }
0x94: {  	_ =	strace s3  }
0x95: {  	s3 =	sld [smem:$0x3FFD];
	_ =	sdelay $0x3  }
0x96: {  	_ =	strace s3  }
0x97: {  	_ =	strace $0x8FFFFFFF  }
0x98: {  	s19 =	sld [smem:$0x3FDB];
	_ =	sdelay $0x1  }
0x99: {  	s4 =	simm.s32 $_scs_section_size  }
0x9a: {  	s5 =	simm.s32 $_size__tile_overlayer_lowered;
	s6 =	simm.s32 $_tile_overlayer_lowered  }
0x9b: {  	s22 =	simm.s32 $0x1BFF;
	s21 =	sshll.u32 s6, $0x1;
	s3 =	sadd.s32 s4, s19  }
0x9c: {  	s7 =	simm.s32 $0x0;
	s20 =	sshll.u32 s5, $0x1;
	s5 =	sadd.s32 s21, s3  }
0x9d: {  	[timem:s7], [sflag:s22] =	dma.local [hbm:s5], s20  }
0x9e: {  	_ =	swait.ge [sflag:s22], s20  }
0x9f: {  	s4 =	ssub.s32 $0x0, s20;
	[sflag:s22] =	ssyncset.done $0x0  }
0xa0: {  	[sflag:s22] =	ssyncadd.s32 s4;
	_ =	sdelay $0x1  }
0xa1: {  	s23 =	simm.s32 $0x1B8B  }
0xa2: {  	_ =	swait.ge [sflag:s23], $0x1  }
0xa3: {  	[sflag:s23] =	ssyncset.done $0x0  }
0xa4: {  	s25 =	simm.s32 $0x1B8E;
	s24 =	sld [smem:$0x3FFE];
	[sflag:s23] =	ssyncadd.s32 $0xFFFFFFFF  }
0xa5: {  	s26 =	simm.s32 $execute0_lowered;
	[smem:$0x3FD2] =	sst s25  }
0xa6: {  	s5 =	sshll.u32 s26, $0x1;
	_ =	strace $0x8000004C;
	[dreg:$0x1] =	wrdreg $0xFFFFFFFF  }
0xa7: {  	s28 =	simm.s32 $_size_execute0_lowered;
	s3 =	sadd.s32 s3, s5;
	[dreg:$0x0] =	wrdreg $0x0  }
0xa8: {  	s5 =	sshll.u32 s28, $0x1;
	[dreg:$0x2] =	wrdreg s3  }
0xa9: {  	[dreg:$0x3] =	wrdreg s5  }
0xaa: {  	[dreg:$0x4] =	wrdreg $0xC0  }
0xab: {  	_ =	task [dreg:s7], $0x5FFFF  }
0xac: {  	[dreg:$0x1] =	wrdreg $0xFFFFFFFF  }
0xad: {  	[dreg:$0x0] =	wrdreg $0x60  }
0xae: {  	[dreg:$0x2] =	wrdreg s24  }
0xaf: {  	[dreg:$0x3] =	wrdreg s2  }
0xb0: {  	[dreg:$0x4] =	wrdreg $0x90000  }
0xb1: {  	[dreg:$0x5] =	wrdreg $0x9  }
0xb2: {  	_ =	task.clear_ibuf [dreg:s7], $0x6FFFF;
	_ =	strace $0x9000004C  }
0xb3: {  	s29 =	simm.s32 $0x9;
	_ =	strace $0x8000004E  }
0xb4: {  	_ =	swait.ge [sflag:s29], $0x1  }
0xb5: {  	[sflag:s29] =	ssyncadd.s32 $0xFFFFFFFF  }
0xb6: {  	_ =	strace $0x9000004E  }
0xb7: {  	_ =	sfence  }
0xb8: {  	s30 =	sld [smem:$0x0];
	_ =	sdelay $0x2  }
0xb9: {  	s31 =	sshll.u32 s1, $0xD;
	s1 =	sshrl.u32 s1, $0x2  }
0xba: {  	s3 =	sand.u32 $0x4000, s31;
	s1 =	sadd.s32 s1, s30  }
0xbb: {  	s0 =	sor.u32 s3, s0;
	s1 =	sshll.u32 s1, $0x11  }
0xbc: {  	s0 =	sor.u32 s1, s0  }
0xbd: {  	s0 =	sadd.s32 $0x8F2B, s0  }
0xbe: {  	[sflag:s0] =	ssyncadd.remote.s32 $0x1  }
0xbf: {  	_ =	sfence.sel $0xFFFF  }
0xc0: {  	[dreg:$0x0] =	wrdreg $0xFFFFFFFF;
	(pc) =	sbr.abs _section_cstart, $3  }
0xc1: {  	[dreg:$0x1] =	wrdreg $0xFFFFFFFF  }
0xc2: {  	_ =	task.clear_ibuf [dreg:s7], $0x2FFFF;
	_ =	strace $0x9FFFFFFF  }
0xc3: {  	(tm) =	ssettm $0x7FFFFFFF  }
tec
execute0_lowered:
.L_overlay_start_1:
0x0: {  	(tag) =	ssettag $0x1  }
0x1: {  	s1 =	srdreg.scid;
	s6 =	rddreg [dreg:$0x0]  }
0x2: {  	s0 =	stileid.u32;
	s8 =	rddreg [dreg:$0x1]  }
0x3: {  	s2 =	rddreg [dreg:$0x2];
	s3 =	simm.s32 $0x0;
	s14 =	simm.s32 $0x80  }
0x4: {  	s15 =	simm.s32 $0x5000;
	s16 =	simm.s32 $0x1;
	s17 =	simm.s32 $0x0  }
0x5: {  	s7 =	sand.u32 $0x1, s1;
	s29 =	sshll.u32 s0, $0x1;
	s10 =	smul.u32 $0x14000, s0  }
0x6: {  	[smem:$0x7FF] =	sst s3;
	s4 =	sadd.s32 $0xC600, s6;
	s12 =	smul.u32 $0x50000, s0  }
0x7: {  	s31 =	sshll.u32 s0, $0x6;
	s1 =	sor.u32 s7, s29;
	s5 =	smul.u32 $0x140000, s7  }
0x8: {  	s7 =	ssub.s32 $0x2, s7;
	s9 =	smul.u32 $0x500, s1;
	s1 =	rddreg [dreg:$0x3]  }
0x9: {  	_ =	strace $0x8000004D;
	s30 =	sshrl.u32 s7, $0x1;
	s12 =	sshrl.u32 s12, $0x2  }
0xa: {  	s10 =	sadd.s32 s10, s5;
	s5 =	sadd.s32 $0x34600, s6;
	s13 =	ssub.s32 s7, s30  }
0xb: {  	s12 =	sadd.s32 s12, s2;
	s11 =	sadd.s32 s9, s6;
	s10 =	sshrl.u32 s10, $0x3  }
0xc: {  	s7 =	sadd.s32 s8, s9;
	s10 =	sadd.s32 s10, s6;
	s6 =	sor.u32 $0x1C02, s31  }
0xd: {  	s8 =	sadd.s32 $0x2600, s11;
	s11 =	sshrl.u32 s12, $0x3;
	s12 =	simm.s32 $0x2  }
0xe: {  	s9 =	sadd.s32 $0x36E00, s10;
	s10 =	smax.u32 s13, $0x1;
	s13 =	simm.s32 $0x2800  }
.LBB2_1:
0xf: {  	[spmem:s11], [sflag:s6] =	dma.local [hbm:s5], $0x2800  }
0x10: {  	_ =	swait.ge [sflag:s12], $0x2800  }
0x11: {  	[sflag:s12] =	ssyncset.done $0x0  }
0x12: {  	[sflag:s12] =	ssyncadd.s32 $0xFFFFD800  }
0x13: {  	[tilespmem:s3], [sflag:$0x2] =	stream.linear.gather [hbm4b:s7+s3], $0x2800, $0x38;
	[tilespmem:$0x1D000] =	vst v63  }
0x14: {  	_ =	swait.ge [sflag:s12], $0x2800  }
0x15: {  	[sflag:s12] =	ssyncset.done $0x0  }
0x16: {  	[sflag:s12] =	ssyncadd.s32 $0xFFFFD800  }
0x17: {  	[tilespmem:s13], [sflag:$0x2] =	stream.linear.gather [hbm4b:s8+s3], $0x2800, $0x38;
	[tilespmem:$0x1D000] =	vst v63  }
0x18: {  	_ =	swait.ge [sflag:s12], $0x2800  }
0x19: {  	[sflag:s12] =	ssyncset.done $0x0  }
0x1a: {  	[sflag:s12] =	ssyncadd.s32 $0xFFFFD800  }
0x1b: {  	s18 =	simm.s32 $0x0;
	[bflag:$0x0] =	sbarrier.arrive $0xFFFF  }
0x1c: {  	[tilespmem:s15], [sflag:$0x1] =	stream.indirect.gather [hbm4b:s4+s14], $0x80, s18, s14, $0xb8;
	[tilespmem:$0x1D000] =	vst v63  }
0x1d: {  	_ =	swait.ge [sflag:s16], $0x4000  }
0x1e: {  	[sflag:s16] =	ssyncset.done $0x0  }
0x1f: {  	s31 =	simm.s32 $0x2800;
	[sflag:s16] =	ssyncadd.s32 $0xFFFFC000  }
0x20: {  	[spmem:s2] =	stream.indirect.scatter.add.f32 [tilespmem:s15], [sflag:$0x2], $0x80, s31, s14, $0xb8;
	[tilespmem:$0x1D000] =	vst v63  }
0x21: {  	_ =	swait.ge [sflag:s12], $0x4000  }
0x22: {  	s19 =	simm.s32 $0x400;
	s18 =	simm.s32 $0x200;
	[sflag:s12] =	ssyncset.done $0x0  }
.LBB2_2:
0x23: {  	s20 =	sshra.s32 s18, $0x2  }
0x24: {  	[sflag:s12] =	ssyncadd.s32 $0xFFFFC000;
	s18 =	smov.u32 s19;
	s21 =	sadd.s32 $0x200, s19  }
0x25: {  	[tilespmem:s15], [sflag:$0x1] =	stream.indirect.gather [hbm4b:s4+s14], $0x80, s20, s14, $0xb8;
	[tilespmem:$0x1D000] =	vst v63  }
0x26: {  	p0 =	sne.s32 s19, $0x9E00;
	_ =	swait.ge [sflag:s16], $0x4000  }
.Ltmp0:
0x27: {  	[sflag:s16] =	ssyncset.done $0x0;
	(pc) =	sbr.rel @p0 .LBB2_2-.Ltmp0, $4  }
0x28: {  	s19 =	sadd.s32 $0x2800, s20;
	[sflag:s16] =	ssyncadd.s32 $0xFFFFC000  }
0x29: {  	[spmem:s2] =	stream.indirect.scatter.add.f32 [tilespmem:s15], [sflag:$0x2], $0x80, s19, s14, $0xb8;
	[tilespmem:$0x1D000] =	vst v63  }
0x2a: {  	_ =	swait.ge [sflag:s12], $0x4000  }
0x2b: {  	s19 =	smov.u32 s21;
	[sflag:s12] =	ssyncset.done $0x0  }
0x2c: {  	s18 =	sshra.s32 s18, $0x2;
	[sflag:s12] =	ssyncadd.s32 $0xFFFFC000  }
0x2d: {  	[tilespmem:s15], [sflag:$0x1] =	stream.indirect.gather [hbm4b:s4+s14], $0x80, s18, s14, $0xb8;
	[tilespmem:$0x1D000] =	vst v63  }
0x2e: {  	_ =	swait.ge [sflag:s16], $0x4000  }
0x2f: {  	[sflag:s16] =	ssyncset.done $0x0  }
0x30: {  	s18 =	sadd.s32 $0x2800, s18;
	[sflag:s16] =	ssyncadd.s32 $0xFFFFC000  }
0x31: {  	[spmem:s2] =	stream.indirect.scatter.add.f32 [tilespmem:s15], [sflag:$0x2], $0x80, s18, s14, $0xb8;
	[tilespmem:$0x1D000] =	vst v63  }
0x32: {  	_ =	swait.ge [sflag:s12], $0x4000  }
0x33: {  	s17 =	sadd.s32 $0x1, s17;
	[sflag:s12] =	ssyncset.done $0x0  }
0x34: {  	p0 =	sne.s32 s17, s10;
	[sflag:s12] =	ssyncadd.s32 $0xFFFFC000  }
.Ltmp1:
0x35: {  	[bflag:$0x0] =	sbarrier.arrive $0xFFFF;
	(pc) =	sbr.rel @p0 .LBB2_1-.Ltmp1, $4  }
0x36: {  	[hbm:s9], [sflag:s6] =	dma.local [spmem:s11], $0x2800  }
0x37: {  	_ =	swait.ge [sflag:s12], $0x2800  }
0x38: {  	[sflag:s12] =	ssyncset.done $0x0  }
0x39: {  	[sflag:s12] =	ssyncadd.s32 $0xFFFFD800  }
0x3a: {  	_ =	sfence.sel $0x180000  }
0x3b: {  	[bflag:$0x0] =	sbarrier.arrive $0xFFFF  }
0x3c: {  	p0 =	sne.s32 s0, $0x0;
	_ =	strace $0x9000004D  }
0x3d: {  	s0 =	sadd.s32 @!p0 $0x100000, s1;
	[bflag:$0x2] =	sbarrier.arrive $0xFFFF  }
0x3e: {  	[sflag:s0] =	ssyncadd.tile.s32 @!p0 $0x1;
	_ =	shalt  }
.Lfunc_end2:
_tile_overlayer_lowered:
.L_overlay_start_2:
0x3f: {  	(tag) =	ssettag $0x2  }
0x40: {  	s0 =	rddreg [dreg:$0x0];
	s2 =	stileid.u32  }
0x41: {  	s1 =	rddreg [dreg:$0x1];
	p0 =	sne.s32 s2, $0x0  }
0x42: {  	s3 =	rddreg [dreg:$0x2];
	[bflag:$0x3] =	sbarrier.arrive $0xFFFF;
	s2 =	simm.s32 @!p0 $0x1C02  }
0x43: {  	[timem:s3], [sflag:s2] =	dma.local @!p0 [hbm:s0], s1  }
0x44: {  	s0 =	simm.s32 @!p0 $0x2  }
0x45: {  	_ =	swait.ge @!p0 [sflag:s0], s1  }
0x46: {  	s1 =	ssub.s32 @!p0 $0x0, s1;
	[sflag:s0] =	ssyncset.done @!p0 $0x0  }
0x47: {  	[sflag:s0] =	ssyncadd.s32 @!p0 s1  }
0x48: {  	[bflag:$0x3] =	sbarrier.arrive $0xFFFF  }
0x49: {  	_ =	shalt  }

// kernel: kernel.8.cloned.1.call-start
scs
__scs_entry_jumppad:
0x0: {  	(pc) =	sbr.rel $0x88, $3  }
0x1: {  	(tag) =	ssettag $0x0;
	lr =	simm.s32 $0x1  }
0x2: {  	[smem:$0x3F9A] =	sst lr;
	_ =	strace $0xD0000000  }
0x3: {  	_ = 	snop  }
0x4: {  	_ = 	snop  }
0x5: {  	_ = 	snop  }
0x6: {  	_ = 	snop  }
0x7: {  	_ = 	snop  }
__scs_overlays_trampoline_lowered:
0x8: {  	[smem:$0x3FA9] =	sst s0  }
0x9: {  	[smem:$0x3FAA] =	sst s1  }
0xa: {  	[smem:$0x3FAB] =	sst s2  }
0xb: {  	[smem:$0x3FAC] =	sst s3  }
0xc: {  	[smem:$0x3FAD] =	sst s4  }
0xd: {  	[smem:$0x3FAE] =	sst s5  }
0xe: {  	[smem:$0x3FAF] =	sst s6  }
0xf: {  	[smem:$0x3FB0] =	sst s7  }
0x10: {  	[smem:$0x3FB1] =	sst s8  }
0x11: {  	[smem:$0x3FB2] =	sst s9;
	s0 =	simm.s32 @!p0 $0x0  }
0x12: {  	s1 =	sld [smem:$0x3F98];
	s0 =	simm.s32 @p0 $0x1  }
0x13: {  	[smem:$0x3FB3] =	sst s0;
	s0 =	simm.s32 @!p1 $0x0  }
0x14: {  	s2 =	sld [smem:$0x3F97];
	s0 =	simm.s32 @p1 $0x1  }
0x15: {  	[smem:$0x3FB4] =	sst s0;
	s0 =	simm.s32 @!p2 $0x0  }
0x16: {  	s3 =	sld [smem:$0x3FDB];
	s0 =	simm.s32 @p2 $0x1  }
0x17: {  	s4 =	simm.s32 $0x1BF5;
	[smem:$0x3FB6] =	sst s0  }
0x18: {  	s0 =	sld [smem:$0x3F99];
	_ =	swait.ge [sflag:s4], $0x0  }
0x19: {  	s7 =	sld [smem:$0x3F9A]  }
0x1a: {  	s8 =	sadd.s32 $0xFFFFE003, lr  }
0x1b: {  	s9 =	sadd.s32 $0xFFFFFEF7, lr;
	s5 =	simm.s32 $0xFFFFFFFF;
	p2 =	slt.u32 s8, $0xFFFFF086  }
0x1c: {  	p1 =	slt.u32 s9, $0xF7A;
	s5 =	simm.s32 @!p2 $0x0  }
0x1d: {  	s5 =	simm.s32 @p1 $0x1;
	p0 =	seq.s32 s7, s2  }
0x1e: {  	s7 =	smul.u32 @!p0 $0xF7A, s2;
	p2 =	seq.s32 @!p0 s5, $0x0  }
0x1f: {  	s9 =	smul.u32 $0xF7A, s1;
	s8 =	simm.s32 @!p0 $0x1BF5;
	p2 =	por !p2, p0  }
0x20: {  	[sflag:s8] =	ssyncset.s32 @!p0 $0xFFFFF086;
	s6 =	sadd.s32 @!p0 s3, s7;
	s7 =	simm.s32 @!p0 $0x108  }
0x21: {  	s3 =	sadd.s32 s3, s9;
	s6 =	sadd.s32 @!p0 $0x88, s6;
	s7 =	simm.s32 @p2 $0x1082  }
0x22: {  	[simem:s7], [sflag:s8] =	dma.local @!p0 [hbm:s6], $0xF7A  }
0x23: {  	s9 =	sor.u32 $0xD0000000, s2;
	s6 =	simm.s32 $0x108;
	_ =	swait.ge @!p0 [sflag:s8], $0x0  }
0x24: {  	s3 =	sadd.s32 $0x88, s3;
	s6 =	simm.s32 @!p1 $0x1082;
	[sflag:s4] =	ssyncset.s32 $0xFFFFF086  }
0x25: {  	[simem:s6], [sflag:s4] =	dma.local [hbm:s3], $0xF7A  }
0x26: {  	[smem:$0x3F9A] =	sst s1;
	(tag) =	ssettag s2;
	_ =	strace s9  }
0x27: {  	s1 =	sld [smem:$0x3FAA]  }
0x28: {  	s2 =	sld [smem:$0x3FAB]  }
0x29: {  	s4 =	sld [smem:$0x3FAD]  }
0x2a: {  	p0 =	seq.s32 s5, $0x0;
	s5 =	sld [smem:$0x3FAE]  }
0x2b: {  	s6 =	sld [smem:$0x3FAF]  }
0x2c: {  	s7 =	sld [smem:$0x3FB0]  }
0x2d: {  	s3 =	simm.s32 $0x108;
	s8 =	sld [smem:$0x3FB1]  }
0x2e: {  	s3 =	simm.s32 @!p0 $0x1082;
	s9 =	sld [smem:$0x3FB2]  }
0x2f: {  	lr =	sadd.s32 s0, s3;
	s0 =	sld [smem:$0x3FA9]  }
0x30: {  	s3 =	sld [smem:$0x3FAC]  }
0x31: {  	[smem:$0x3FB5] =	sst s10  }
0x32: {  	s10 =	sld [smem:$0x3FB3];
	_ =	sdelay $0x3  }
0x33: {  	p0 =	seq.s32 s10, $0x1;
	s10 =	sld [smem:$0x3FB5];
	_ =	sdelay $0x3  }
0x34: {  	[smem:$0x3FB5] =	sst s10  }
0x35: {  	s10 =	sld [smem:$0x3FB4];
	_ =	sdelay $0x3  }
0x36: {  	p1 =	seq.s32 s10, $0x1;
	s10 =	sld [smem:$0x3FB5];
	_ =	sdelay $0x3  }
0x37: {  	[smem:$0x3FB5] =	sst s10  }
0x38: {  	s10 =	sld [smem:$0x3FB6]  }
0x39: {  	_ = 	snop;
	(pc) =	sbr.ind lr, $3  }
0x3a: {  	_ = 	snop  }
0x3b: {  	_ = 	snop  }
0x3c: {  	p2 =	seq.s32 s10, $0x1;
	s10 =	sld [smem:$0x3FB5]  }
0x3d: {  	_ =	shalt  }
0x3e: {  	_ =	shalt  }
0x3f: {  	_ =	shalt  }
0x40: {  	_ =	shalt  }
0x41: {  	_ =	shalt  }
0x42: {  	_ =	shalt  }
0x43: {  	_ =	shalt  }
0x44: {  	_ =	shalt  }
0x45: {  	_ =	shalt  }
0x46: {  	_ =	shalt  }
0x47: {  	_ =	shalt  }
0x48: {  	_ =	shalt  }
0x49: {  	_ =	shalt  }
0x4a: {  	_ =	shalt  }
0x4b: {  	_ =	shalt  }
0x4c: {  	_ =	shalt  }
0x4d: {  	_ =	shalt  }
0x4e: {  	_ =	shalt  }
0x4f: {  	_ =	shalt  }
0x50: {  	_ =	shalt  }
0x51: {  	_ =	shalt  }
0x52: {  	_ =	shalt  }
0x53: {  	_ =	shalt  }
0x54: {  	_ =	shalt  }
0x55: {  	_ =	shalt  }
0x56: {  	_ =	shalt  }
0x57: {  	_ =	shalt  }
0x58: {  	_ =	shalt  }
0x59: {  	_ =	shalt  }
0x5a: {  	_ =	shalt  }
0x5b: {  	_ =	shalt  }
0x5c: {  	_ =	shalt  }
0x5d: {  	_ =	shalt  }
0x5e: {  	_ =	shalt  }
0x5f: {  	_ =	shalt  }
0x60: {  	_ =	shalt  }
0x61: {  	_ =	shalt  }
0x62: {  	_ =	shalt  }
0x63: {  	_ =	shalt  }
0x64: {  	_ =	shalt  }
0x65: {  	_ =	shalt  }
0x66: {  	_ =	shalt  }
0x67: {  	_ =	shalt  }
0x68: {  	_ =	shalt  }
0x69: {  	_ =	shalt  }
0x6a: {  	_ =	shalt  }
0x6b: {  	_ =	shalt  }
0x6c: {  	_ =	shalt  }
0x6d: {  	_ =	shalt  }
0x6e: {  	_ =	shalt  }
0x6f: {  	_ =	shalt  }
0x70: {  	_ =	shalt  }
0x71: {  	_ =	shalt  }
0x72: {  	_ =	shalt  }
0x73: {  	_ =	shalt  }
0x74: {  	_ =	shalt  }
0x75: {  	_ =	shalt  }
0x76: {  	_ =	shalt  }
0x77: {  	_ =	shalt  }
0x78: {  	_ =	shalt  }
0x79: {  	_ =	shalt  }
0x7a: {  	_ =	shalt  }
0x7b: {  	_ =	shalt  }
0x7c: {  	_ =	shalt  }
0x7d: {  	_ =	shalt  }
0x7e: {  	_ =	shalt  }
0x7f: {  	_ =	shalt  }
0x80: {  	_ =	shalt  }
0x81: {  	_ =	shalt  }
0x82: {  	_ =	shalt  }
0x83: {  	_ =	shalt  }
0x84: {  	_ =	shalt  }
0x85: {  	_ =	shalt  }
0x86: {  	_ =	shalt  }
0x87: {  	_ =	shalt  }
.Lfunc_end0:
.L_simem_size_0:
called_computation_lowered:
.L_overlay_start_0:
0x88: {  	s2 =	sld [smem:$0x3FD9]  }
0x89: {  	s3 =	sld [smem:$0x3FFE];
	_ =	sdelay $0x1  }
0x8a: {  	s1 =	srdreg.scid  }
0x8b: {  	s0 =	sand.u32 $0x1, s1  }
0x8c: {  	s16 =	sshll.u32 s0, $0xA;
	s2 =	sadd.s32 s3, s2  }
0x8d: {  	s2 =	sadd.s32 s2, s16  }
0x8e: {  	[smem:$0x3FC1] =	sst s2  }
0x8f: {  	_ = 	snop  }
0x90: {  	(tm) =	ssettm $0x1  }
0x91: {  	s17 =	sld [smem:$0x3FFB];
	_ =	sdelay $0x3  }
0x92: {  	_ =	strace s17  }
0x93: {  	s2 =	sld [smem:$0x3FFC];
	_ =	sdelay $0x3  }
0x94: {  	_ =	strace s2  }
0x95: {  	s2 =	sld [smem:$0x3FFD];
	_ =	sdelay $0x3  }
0x96: {  	_ =	strace s2  }
0x97: {  	_ =	strace $0x8FFFFFFF  }
0x98: {  	s18 =	sld [smem:$0x3FDB];
	_ =	sdelay $0x1  }
0x99: {  	s19 =	simm.s32 $_scs_section_size  }
0x9a: {  	s4 =	simm.s32 $_size__tile_overlayer_lowered;
	s5 =	simm.s32 $_tile_overlayer_lowered  }
0x9b: {  	s22 =	simm.s32 $0x1BFF;
	s21 =	sshll.u32 s5, $0x1;
	s2 =	sadd.s32 s19, s18  }
0x9c: {  	s6 =	simm.s32 $0x0;
	s20 =	sshll.u32 s4, $0x1;
	s4 =	sadd.s32 s21, s2  }
0x9d: {  	[timem:s6], [sflag:s22] =	dma.local [hbm:s4], s20  }
0x9e: {  	_ =	swait.ge [sflag:s22], s20  }
0x9f: {  	s3 =	ssub.s32 $0x0, s20;
	[sflag:s22] =	ssyncset.done $0x0  }
0xa0: {  	[sflag:s22] =	ssyncadd.s32 s3;
	_ =	sdelay $0x1  }
0xa1: {  	s23 =	simm.s32 $0x1B8B  }
0xa2: {  	_ =	swait.ge [sflag:s23], $0x1  }
0xa3: {  	[sflag:s23] =	ssyncset.done $0x0  }
0xa4: {  	s25 =	simm.s32 $0x1B8E;
	s24 =	sld [smem:$0x3FFE];
	[sflag:s23] =	ssyncadd.s32 $0xFFFFFFFF  }
0xa5: {  	s26 =	simm.s32 $execute0_lowered;
	[smem:$0x3FD2] =	sst s25  }
0xa6: {  	s4 =	sshll.u32 s26, $0x1;
	_ =	strace $0x80000046;
	[dreg:$0x1] =	wrdreg $0xFFFFFFFF  }
0xa7: {  	s28 =	simm.s32 $_size_execute0_lowered;
	s2 =	sadd.s32 s2, s4;
	[dreg:$0x0] =	wrdreg $0x0  }
0xa8: {  	s4 =	sshll.u32 s28, $0x1;
	[dreg:$0x2] =	wrdreg s2  }
0xa9: {  	[dreg:$0x3] =	wrdreg s4  }
0xaa: {  	[dreg:$0x4] =	wrdreg $0xC0  }
0xab: {  	_ =	task [dreg:s6], $0x5FFFF  }
0xac: {  	[dreg:$0x1] =	wrdreg $0xFFFFFFFF  }
0xad: {  	[dreg:$0x0] =	wrdreg $0x60  }
0xae: {  	[dreg:$0x2] =	wrdreg s24  }
0xaf: {  	[dreg:$0x3] =	wrdreg $0x28800  }
0xb0: {  	[dreg:$0x4] =	wrdreg $0x9  }
0xb1: {  	_ =	task.clear_ibuf [dreg:s6], $0x5FFFF;
	_ =	strace $0x90000046  }
0xb2: {  	s29 =	simm.s32 $0x9;
	_ =	strace $0x80000048  }
0xb3: {  	_ =	swait.ge [sflag:s29], $0x1  }
0xb4: {  	[sflag:s29] =	ssyncadd.s32 $0xFFFFFFFF  }
0xb5: {  	_ =	strace $0x90000048  }
0xb6: {  	_ =	sfence  }
0xb7: {  	s30 =	sld [smem:$0x0];
	_ =	sdelay $0x2  }
0xb8: {  	s31 =	sshll.u32 s1, $0xD;
	s1 =	sshrl.u32 s1, $0x2  }
0xb9: {  	s3 =	sand.u32 $0x4000, s31;
	s1 =	sadd.s32 s1, s30  }
0xba: {  	s0 =	sor.u32 s3, s0;
	s1 =	sshll.u32 s1, $0x11  }
0xbb: {  	s0 =	sor.u32 s1, s0  }
0xbc: {  	s0 =	sadd.s32 $0x8F2B, s0  }
0xbd: {  	[sflag:s0] =	ssyncadd.remote.s32 $0x1  }
0xbe: {  	_ =	sfence.sel $0xFFFF  }
0xbf: {  	[dreg:$0x0] =	wrdreg $0xFFFFFFFF;
	(pc) =	sbr.abs _section_cstart, $3  }
0xc0: {  	[dreg:$0x1] =	wrdreg $0xFFFFFFFF  }
0xc1: {  	_ =	task.clear_ibuf [dreg:s6], $0x2FFFF;
	_ =	strace $0x9FFFFFFF  }
0xc2: {  	(tm) =	ssettm $0x7FFFFFFF  }
0xc3: {  	_ =	shalt  }
tec
execute0_lowered:
.L_overlay_start_1:
0x0: {  	(tag) =	ssettag $0x1  }
0x1: {  	s1 =	srdreg.scid;
	s6 =	rddreg [dreg:$0x0]  }
0x2: {  	s0 =	stileid.u32;
	s2 =	rddreg [dreg:$0x1];
	s3 =	simm.s32 $0x0  }
0x3: {  	s13 =	simm.s32 $0x80;
	s14 =	simm.s32 $0x20;
	s15 =	simm.s32 $0x10  }
0x4: {  	s16 =	simm.s32 $0x0;
	s5 =	sand.u32 $0x1, s1;
	s1 =	rddreg [dreg:$0x2]  }
0x5: {  	s26 =	sshll.u32 s0, $0x1;
	[smem:$0x7FF] =	sst s3;
	s7 =	smul.u32 $0x500, s0  }
0x6: {  	s10 =	smul.u32 $0xA00, s0;
	s31 =	sshll.u32 s0, $0x6;
	s4 =	sor.u32 s5, s26  }
0x7: {  	_ =	strace $0x80000047;
	s8 =	sshll.u32 s5, $0x7;
	s28 =	ssub.s32 $0x2, s5  }
0x8: {  	s5 =	sadd.s32 $0xC800, s6;
	s4 =	smul.u32 $0x500, s4;
	s7 =	sor.u32 s8, s7  }
0x9: {  	s29 =	sshrl.u32 s28, $0x1;
	s30 =	sshrl.u32 s10, $0x2;
	s7 =	sshrl.u32 s7, $0x3  }
0xa: {  	s12 =	ssub.s32 s28, s29;
	s10 =	sadd.s32 s30, s2;
	s9 =	sadd.s32 s4, s6  }
0xb: {  	s4 =	sadd.s32 $0xC600, s6;
	s11 =	sadd.s32 s7, s6;
	s6 =	sor.u32 $0x1C01, s31  }
0xc: {  	s10 =	sshrl.u32 s10, $0x3;
	s7 =	sadd.s32 $0x2600, s9;
	s8 =	sadd.s32 $0xCA00, s11  }
0xd: {  	s9 =	smax.u32 s12, $0x1;
	s11 =	simm.s32 $0x1;
	s12 =	simm.s32 $0x2800  }
.LBB2_1:
0xe: {  	[spmem:s10], [sflag:s6] =	dma.local [hbm:s4], $0x50  }
0xf: {  	_ =	swait.ge [sflag:s11], $0x50  }
0x10: {  	[sflag:s11] =	ssyncset.done $0x0  }
0x11: {  	[sflag:s11] =	ssyncadd.s32 $0xFFFFFFB0  }
0x12: {  	[tilespmem:s12], [sflag:$0x1] =	stream.linear.gather [hbm4b:s5+s3], $0x80, $0x38;
	[tilespmem:$0x2B00] =	vst v63  }
0x13: {  	_ =	swait.ge [sflag:s11], $0x80  }
0x14: {  	[sflag:s11] =	ssyncset.done $0x0  }
0x15: {  	[sflag:s11] =	ssyncadd.s32 $0xFFFFFF80  }
0x16: {  	[tilespmem:s3], [sflag:$0x1] =	stream.linear.gather [hbm4b:s7+s3], $0x2800, $0x38;
	[tilespmem:$0x2B00] =	vst v63  }
0x17: {  	_ =	swait.ge [sflag:s11], $0x2800  }
0x18: {  	[sflag:s11] =	ssyncset.done $0x0  }
0x19: {  	[sflag:s11] =	ssyncadd.s32 $0xFFFFD800  }
0x1a: {  	s17 =	simm.s32 $0x0;
	[bflag:$0x0] =	sbarrier.arrive $0xFFFF  }
0x1b: {  	[spmem:s2] =	stream.indirect.scatter.add.f32 [tilespmem:s12], [sflag:$0x1], $0x1, s17, s13, $0xb8;
	[tilespmem:$0x2B00] =	vst v63  }
0x1c: {  	_ =	swait.ge [sflag:s11], $0x80  }
0x1d: {  	s17 =	simm.s32 $0x200;
	[sflag:s11] =	ssyncset.done $0x0  }
.LBB2_2:
0x1e: {  	s18 =	sshra.s32 s17, $0x2;
	[sflag:s11] =	ssyncadd.s32 $0xFFFFFF80;
	p0 =	sne.s32 s17, $0x9E00  }
0x1f: {  	[spmem:s2] =	stream.indirect.scatter.add.f32 [tilespmem:s12], [sflag:$0x1], $0x1, s18, s13, $0xb8;
	[tilespmem:$0x2B00] =	vst v63  }
.Ltmp0:
0x20: {  	_ = 	snop;
	(pc) =	sbr.rel @p0 .LBB2_2-.Ltmp0, $4  }
0x21: {  	_ = 	snop  }
0x22: {  	s17 =	sadd.s32 $0x200, s17  }
0x23: {  	_ =	swait.ge [sflag:s11], $0x80  }
0x24: {  	[sflag:s11] =	ssyncset.done $0x0  }
0x25: {  	s16 =	sadd.s32 $0x1, s16  }
0x26: {  	[sflag:s11] =	ssyncadd.s32 $0xFFFFFF80;
	p0 =	sne.s32 s16, s9  }
.Ltmp1:
0x27: {  	[bflag:$0x0] =	sbarrier.arrive $0xFFFF;
	(pc) =	sbr.rel @p0 .LBB2_1-.Ltmp1, $4  }
0x28: {  	[hbm:s8@s14], [sflag:s6] =	dma.strided [spmem:s10@s15], $0x50, s11, $0x10   }
0x29: {  	_ =	swait.ge [sflag:s11], $0x50  }
0x2a: {  	[sflag:s11] =	ssyncset.done $0x0  }
0x2b: {  	[sflag:s11] =	ssyncadd.s32 $0xFFFFFFB0  }
0x2c: {  	_ =	sfence.sel $0x180000  }
0x2d: {  	[bflag:$0x0] =	sbarrier.arrive $0xFFFF  }
0x2e: {  	p0 =	sne.s32 s0, $0x0;
	_ =	strace $0x90000047  }
0x2f: {  	s0 =	sadd.s32 @!p0 $0x100000, s1;
	[bflag:$0x2] =	sbarrier.arrive $0xFFFF  }
0x30: {  	[sflag:s0] =	ssyncadd.tile.s32 @!p0 $0x1;
	_ =	shalt  }
.Lfunc_end2:
_tile_overlayer_lowered:
.L_overlay_start_2:
0x31: {  	(tag) =	ssettag $0x2  }
0x32: {  	s0 =	rddreg [dreg:$0x0];
	s2 =	stileid.u32  }
0x33: {  	s1 =	rddreg [dreg:$0x1];
	p0 =	sne.s32 s2, $0x0  }
0x34: {  	s3 =	rddreg [dreg:$0x2];
	[bflag:$0x3] =	sbarrier.arrive $0xFFFF;
	s2 =	simm.s32 @!p0 $0x1C01  }
0x35: {  	[timem:s3], [sflag:s2] =	dma.local @!p0 [hbm:s0], s1  }
0x36: {  	s0 =	simm.s32 @!p0 $0x1  }
0x37: {  	_ =	swait.ge @!p0 [sflag:s0], s1  }
0x38: {  	s1 =	ssub.s32 @!p0 $0x0, s1;
	[sflag:s0] =	ssyncset.done @!p0 $0x0  }
0x39: {  	[sflag:s0] =	ssyncadd.s32 @!p0 s1  }
0x3a: {  	[bflag:$0x3] =	sbarrier.arrive $0xFFFF  }
0x3b: {  	_ =	shalt  }

</sc_bundles>
